<compile_context>
chip_gen: v7x
topology: tpu7x:2x2x1
jax: 0.10.2.dev20260603
libtpu: 0.0.44.dev20260713+nightly
codegen_flags: <defaults>
</compile_context>

<pallas_src>
import functools

import jax
import jax.numpy as jnp
from jax import lax
from jax.experimental import pallas as pl
from jax.experimental.pallas import tpu as pltpu
from jax.experimental.pallas import tpu_sc as plsc

_V = 1_000_000
_DIM = 64
_PAD = 128
_NW = 32
_CHUNK = 128
_K = 2
_NBUF = 2
_ABLK = 16384
_CBLK = 4096


def _pad_table(wt):

    def body(i_ref, o_ref):
        o_ref[:, :_DIM] = i_ref[...].T

    return pl.pallas_call(
        body,
        grid=(pl.cdiv(_V, _ABLK),),
        in_specs=[pl.BlockSpec((_DIM, _ABLK), lambda j: (0, j))],
        out_specs=pl.BlockSpec((_ABLK, _PAD), lambda j: (j, 0)),
        out_shape=jax.ShapeDtypeStruct((_V, _PAD), jnp.float32),
    )(wt)


def _untranspose(g, b, s, s0, stot, y=None):

    nb = b // _CBLK
    gspec = pl.BlockSpec((_CBLK, _PAD), lambda si, j: (si * nb + j, 0))
    ospec = pl.BlockSpec((1, _DIM, _CBLK), lambda si, j: (s0 + si, 0, j))
    oshape = jax.ShapeDtypeStruct((stot, _DIM, b), jnp.float32)

    if y is None:

        def body0(i_ref, o_ref):
            o_ref[...] = i_ref[:, :_DIM].T[None]

        return pl.pallas_call(
            body0, grid=(s, nb), in_specs=[gspec], out_specs=ospec,
            out_shape=oshape,
        )(g)

    def body1(y_ref, i_ref, o_ref):
        o_ref[...] = i_ref[:, :_DIM].T[None]

    return pl.pallas_call(
        body1,
        grid=(s, nb),
        in_specs=[pl.BlockSpec((1, 8, 128), lambda si, j: (0, 0, 0)), gspec],
        out_specs=ospec,
        out_shape=oshape,
        input_output_aliases={0: 0},
    )(y, g)


def _gather_sc(idx, table, *, ngroup):
    nchunk = ngroup * _K
    rows = _K * _CHUNK
    mesh = plsc.VectorSubcoreMesh(
        core_axis_name="c", subcore_axis_name="s", num_cores=2, num_subcores=16
    )

    @functools.partial(
        pl.kernel,
        out_type=jax.ShapeDtypeStruct((_NW * nchunk * _CHUNK, _PAD), jnp.float32),
        mesh=mesh,
        scratch_types=[
            pltpu.VMEM((nchunk, _CHUNK), jnp.int32),
            pltpu.VMEM((_NBUF, rows, _PAD), jnp.float32),
            pltpu.SemaphoreType.DMA,
            pltpu.SemaphoreType.DMA,
        ],
        compiler_params=pltpu.CompilerParams(use_tc_tiling_on_sc=False),
    )
    def body(idx_hbm, table_hbm, out_hbm, idx_v, rows_v, gsem0, gsem1):
        cid = lax.axis_index("c")
        sid = lax.axis_index("s")
        wid = sid * 2 + cid
        base = wid * nchunk * _CHUNK
        pltpu.sync_copy(idx_hbm.at[wid], idx_v)
        sems = (gsem0, gsem1)

        def gather_group(g, p, sem):
            for q in range(_K):
                pltpu.async_copy(
                    table_hbm.at[idx_v.at[g * _K + q]],
                    rows_v.at[p].at[pl.ds(q * _CHUNK, _CHUNK)],
                    sem,
                )

        def drain_group(g, p, sem):
            for q in range(_K):
                pltpu.make_async_copy(
                    table_hbm.at[idx_v.at[g * _K + q]],
                    rows_v.at[p].at[pl.ds(q * _CHUNK, _CHUNK)],
                    sem,
                ).wait()

        for p in range(_NBUF):
            gather_group(p, p, sems[p])

        @pl.loop(0, ngroup, step=_NBUF)
        def _(g):
            for p in range(_NBUF):
                cur = g + p
                drain_group(cur, p, sems[p])
                pltpu.sync_copy(
                    rows_v.at[p].at[:, pl.ds(0, _DIM)],
                    out_hbm.at[pl.ds(base + cur * rows, rows), pl.ds(0, _DIM)],
                )
                nxt = cur + _NBUF

                @pl.when(nxt < ngroup)
                def _():
                    gather_group(nxt, p, sems[p])

    return body(idx, table)


@jax.jit
def _embed(token_ids, weight):
    b, s = token_ids.shape
    half = s // 2
    nchunk = b * half // _NW // _CHUNK
    table = _pad_table(weight.T)
    tt = token_ids.T.astype(jnp.int32)
    idx0 = tt[:half].reshape(_NW, nchunk, _CHUNK)
    idx1 = tt[half:].reshape(_NW, nchunk, _CHUNK)
    g0 = _gather_sc(idx0, table, ngroup=nchunk // _K)
    g1 = _gather_sc(idx1, table, ngroup=nchunk // _K)
    y0 = _untranspose(g0, b, half, 0, s)
    y = _untranspose(g1, b, half, half, s, y=y0)
    return y.transpose(2, 0, 1)


def kernel(token_ids, weight):
    return _embed(token_ids, weight)

# --- scband reference (transcript-rebuilt; emitter-appended) ---
"""Pipeline reference for scband-embedding-25280177504570 (READ-ONLY COPY).

The authoritative reference and input builder live on the scoring server;
editing this copy changes nothing except your own understanding.
"""

import jax, jax.numpy as jnp
import numpy as np

NUM_EMBEDDINGS = 1000000
EMBEDDING_DIM = 64

def setup_inputs(seed: int = 0) -> dict:
    key = jax.random.key(seed)
    k_idx, k_w = jax.random.split(key)
    token_ids = jax.random.randint(k_idx, (16384, 50), 0, NUM_EMBEDDINGS, dtype=jnp.int64 if jax.config.jax_enable_x64 else jnp.int32)
    # trunc_normal_(mean=0, std=1, a=-3, b=3) equivalent
    weight = jax.random.truncated_normal(k_w, -3.0, 3.0, (NUM_EMBEDDINGS, EMBEDDING_DIM), dtype=jnp.float32)
    return {"token_ids": token_ids, "weight": weight}

def reference(token_ids, weight):
    # Faithful translation of: return self.weight[token_ids]
    return jnp.take(weight, token_ids, axis=0)

if __name__ == "__main__":
    import jax
    _d = setup_inputs()
    print(jax.jit(kernel)(*tuple(_d.values())))

</pallas_src>

<mosaic_0001>
#map = affine_map<(d0, d1) -> (0, 0, 0)>
#map1 = affine_map<(d0, d1) -> (0, 0)>
module attributes {stable_mosaic.version = 14 : i64} {
  func.func @body(%arg0: i32, %arg1: i32, %arg2: memref<32x100x128xi32, #tpu.memory_space<hbm>>, %arg3: memref<1000000x128xf32, #tpu.memory_space<hbm>>, %arg4: memref<409600x128xf32, #tpu.memory_space<hbm>>, %arg5: memref<100x128xi32, #tpu.memory_space<vmem>>, %arg6: memref<2x256x128xf32, #tpu.memory_space<vmem>>, %arg7: memref<!tpu.dma_semaphore, #tpu.memory_space<semaphore_mem>>, %arg8: memref<!tpu.dma_semaphore, #tpu.memory_space<semaphore_mem>>) attributes {dimension_semantics = [#tpu.dimension_semantics<core_parallel>, #tpu.dimension_semantics<subcore_parallel>], iteration_bounds = array<i64: 2, 16>, scalar_prefetch = 0 : i64, scratch_operands = 4 : i64, tpu.core_type = #tpu.core_type<sc_vector_subcore>, window_params = [{transform_indices = #map}, {transform_indices = #map1}, {transform_indices = #map1}]} {
    %mul3A = arith.constant 2 : i32
    %mul3A_0 = arith.muli %arg1, %mul3A : i32
    %add3A = arith.addi %mul3A_0, %arg0 : i32
    %mul3A_1 = arith.constant 100 : i32
    %mul3A_2 = arith.muli %add3A, %mul3A_1 : i32
    %mul3A_3 = arith.constant 128 : i32
    %mul3A_4 = arith.muli %mul3A_2, %mul3A_3 : i32
    "tpu.region"() ({
      %run_scoped3A = tpu.sem_alloc : memref<!tpu.dma_semaphore, #tpu.memory_space<semaphore_mem>>
      %dma_start3A_68 = arith.constant 0 : i32
      %dma_start3A_69 = arith.constant 0 : i32
      %dma_start3A_70 = tpu.memref_slice %arg2[%add3A, %dma_start3A_68, %dma_start3A_69] : memref<32x100x128xi32, #tpu.memory_space<hbm>> -> memref<1x100x128xi32, #tpu.memory_space<hbm>>
      %dma_start3A_71 = tpu.memref_squeeze %dma_start3A_70 : memref<1x100x128xi32, #tpu.memory_space<hbm>> -> memref<100x128xi32, #tpu.memory_space<hbm>>
      %dma_start3A_72 = arith.constant 0 : i32
      %dma_start3A_73 = arith.constant 0 : i32
      %dma_start3A_74 = tpu.memref_slice %arg2[%add3A, %dma_start3A_72, %dma_start3A_73] : memref<32x100x128xi32, #tpu.memory_space<hbm>> -> memref<1x100x128xi32, #tpu.memory_space<hbm>>
      %dma_start3A_75 = tpu.memref_squeeze %dma_start3A_74 : memref<1x100x128xi32, #tpu.memory_space<hbm>> -> memref<100x128xi32, #tpu.memory_space<hbm>>
      tpu.enqueue_dma source(%dma_start3A_75 : memref<100x128xi32, #tpu.memory_space<hbm>>) target(%arg5 : memref<100x128xi32, #tpu.memory_space<vmem>>) target_semaphore(%run_scoped3A : memref<!tpu.dma_semaphore, #tpu.memory_space<semaphore_mem>>)
      %dma_wait3A = arith.constant 0 : i32
      %dma_wait3A_76 = arith.constant 0 : i32
      %dma_wait3A_77 = tpu.memref_slice %arg2[%add3A, %dma_wait3A, %dma_wait3A_76] : memref<32x100x128xi32, #tpu.memory_space<hbm>> -> memref<1x100x128xi32, #tpu.memory_space<hbm>>
      %dma_wait3A_78 = tpu.memref_squeeze %dma_wait3A_77 : memref<1x100x128xi32, #tpu.memory_space<hbm>> -> memref<100x128xi32, #tpu.memory_space<hbm>>
      %dma_wait3A_79 = arith.constant 0 : i32
      %dma_wait3A_80 = arith.constant 0 : i32
      %dma_wait3A_81 = tpu.memref_slice %arg2[%add3A, %dma_wait3A_79, %dma_wait3A_80] : memref<32x100x128xi32, #tpu.memory_space<hbm>> -> memref<1x100x128xi32, #tpu.memory_space<hbm>>
      %dma_wait3A_82 = tpu.memref_squeeze %dma_wait3A_81 : memref<1x100x128xi32, #tpu.memory_space<hbm>> -> memref<100x128xi32, #tpu.memory_space<hbm>>
      tpu.wait_dma2 semaphore(%run_scoped3A : memref<!tpu.dma_semaphore, #tpu.memory_space<semaphore_mem>>) src(%dma_wait3A_82 : memref<100x128xi32, #tpu.memory_space<hbm>>) dst(%arg5 : memref<100x128xi32, #tpu.memory_space<vmem>>)
      tpu.yield
    }) : () -> ()
    %dma_start3A = arith.constant 0 : i32
    %dma_start3A_5 = arith.constant 0 : i32
    %dma_start3A_6 = arith.constant 0 : i32
    %dma_start3A_7 = arith.constant 0 : i32
    %dma_start3A_8 = tpu.memref_slice %arg6[%dma_start3A_5, %dma_start3A_6, %dma_start3A_7] : memref<2x256x128xf32, #tpu.memory_space<vmem>> -> memref<1x256x128xf32, #tpu.memory_space<vmem>>
    %dma_start3A_9 = tpu.memref_squeeze %dma_start3A_8 : memref<1x256x128xf32, #tpu.memory_space<vmem>> -> memref<256x128xf32, #tpu.memory_space<vmem>>
    %dma_start3A_10 = arith.constant 0 : i32
    %dma_start3A_11 = arith.constant 0 : i32
    %dma_start3A_12 = tpu.memref_slice %dma_start3A_9[%dma_start3A_10, %dma_start3A_11] : memref<256x128xf32, #tpu.memory_space<vmem>> -> memref<128x128xf32, #tpu.memory_space<vmem>>
    %dma_start3A_13 = arith.constant 0 : i32
    %dma_start3A_14 = tpu.memref_slice %arg5[%dma_start3A, %dma_start3A_13] : memref<100x128xi32, #tpu.memory_space<vmem>> -> memref<1x128xi32, #tpu.memory_space<vmem>>
    %dma_start3A_15 = tpu.memref_squeeze %dma_start3A_14 : memref<1x128xi32, #tpu.memory_space<vmem>> -> memref<128xi32, #tpu.memory_space<vmem>>
    %dma_start3A_16 = arith.constant 0 : i32
    %dma_start3A_17 = arith.constant 0 : i32
    %dma_start3A_18 = tpu.memref_slice %arg3[%dma_start3A_16, %dma_start3A_17] : memref<1000000x128xf32, #tpu.memory_space<hbm>> -> memref<1000000x128xf32, #tpu.memory_space<hbm>>
    tpu.enqueue_indirect_dma source(%dma_start3A_18 : memref<1000000x128xf32, #tpu.memory_space<hbm>>) target(%dma_start3A_12 : memref<128x128xf32, #tpu.memory_space<vmem>>) offsets(%dma_start3A_15 : memref<128xi32, #tpu.memory_space<vmem>>) semaphore(%arg7 : memref<!tpu.dma_semaphore, #tpu.memory_space<semaphore_mem>>)
    %dma_start3A_19 = arith.constant 1 : i32
    %dma_start3A_20 = arith.constant 0 : i32
    %dma_start3A_21 = arith.constant 0 : i32
    %dma_start3A_22 = arith.constant 0 : i32
    %dma_start3A_23 = tpu.memref_slice %arg6[%dma_start3A_20, %dma_start3A_21, %dma_start3A_22] : memref<2x256x128xf32, #tpu.memory_space<vmem>> -> memref<1x256x128xf32, #tpu.memory_space<vmem>>
    %dma_start3A_24 = tpu.memref_squeeze %dma_start3A_23 : memref<1x256x128xf32, #tpu.memory_space<vmem>> -> memref<256x128xf32, #tpu.memory_space<vmem>>
    %dma_start3A_25 = arith.constant 128 : i32
    %dma_start3A_26 = arith.constant 0 : i32
    %dma_start3A_27 = tpu.memref_slice %dma_start3A_24[%dma_start3A_25, %dma_start3A_26] : memref<256x128xf32, #tpu.memory_space<vmem>> -> memref<128x128xf32, #tpu.memory_space<vmem>>
    %dma_start3A_28 = arith.constant 0 : i32
    %dma_start3A_29 = tpu.memref_slice %arg5[%dma_start3A_19, %dma_start3A_28] : memref<100x128xi32, #tpu.memory_space<vmem>> -> memref<1x128xi32, #tpu.memory_space<vmem>>
    %dma_start3A_30 = tpu.memref_squeeze %dma_start3A_29 : memref<1x128xi32, #tpu.memory_space<vmem>> -> memref<128xi32, #tpu.memory_space<vmem>>
    %dma_start3A_31 = arith.constant 0 : i32
    %dma_start3A_32 = arith.constant 0 : i32
    %dma_start3A_33 = tpu.memref_slice %arg3[%dma_start3A_31, %dma_start3A_32] : memref<1000000x128xf32, #tpu.memory_space<hbm>> -> memref<1000000x128xf32, #tpu.memory_space<hbm>>
    tpu.enqueue_indirect_dma source(%dma_start3A_33 : memref<1000000x128xf32, #tpu.memory_space<hbm>>) target(%dma_start3A_27 : memref<128x128xf32, #tpu.memory_space<vmem>>) offsets(%dma_start3A_30 : memref<128xi32, #tpu.memory_space<vmem>>) semaphore(%arg7 : memref<!tpu.dma_semaphore, #tpu.memory_space<semaphore_mem>>)
    %dma_start3A_34 = arith.constant 2 : i32
    %dma_start3A_35 = arith.constant 1 : i32
    %dma_start3A_36 = arith.constant 0 : i32
    %dma_start3A_37 = arith.constant 0 : i32
    %dma_start3A_38 = tpu.memref_slice %arg6[%dma_start3A_35, %dma_start3A_36, %dma_start3A_37] : memref<2x256x128xf32, #tpu.memory_space<vmem>> -> memref<1x256x128xf32, #tpu.memory_space<vmem>>
    %dma_start3A_39 = tpu.memref_squeeze %dma_start3A_38 : memref<1x256x128xf32, #tpu.memory_space<vmem>> -> memref<256x128xf32, #tpu.memory_space<vmem>>
    %dma_start3A_40 = arith.constant 0 : i32
    %dma_start3A_41 = arith.constant 0 : i32
    %dma_start3A_42 = tpu.memref_slice %dma_start3A_39[%dma_start3A_40, %dma_start3A_41] : memref<256x128xf32, #tpu.memory_space<vmem>> -> memref<128x128xf32, #tpu.memory_space<vmem>>
    %dma_start3A_43 = arith.constant 0 : i32
    %dma_start3A_44 = tpu.memref_slice %arg5[%dma_start3A_34, %dma_start3A_43] : memref<100x128xi32, #tpu.memory_space<vmem>> -> memref<1x128xi32, #tpu.memory_space<vmem>>
    %dma_start3A_45 = tpu.memref_squeeze %dma_start3A_44 : memref<1x128xi32, #tpu.memory_space<vmem>> -> memref<128xi32, #tpu.memory_space<vmem>>
    %dma_start3A_46 = arith.constant 0 : i32
    %dma_start3A_47 = arith.constant 0 : i32
    %dma_start3A_48 = tpu.memref_slice %arg3[%dma_start3A_46, %dma_start3A_47] : memref<1000000x128xf32, #tpu.memory_space<hbm>> -> memref<1000000x128xf32, #tpu.memory_space<hbm>>
    tpu.enqueue_indirect_dma source(%dma_start3A_48 : memref<1000000x128xf32, #tpu.memory_space<hbm>>) target(%dma_start3A_42 : memref<128x128xf32, #tpu.memory_space<vmem>>) offsets(%dma_start3A_45 : memref<128xi32, #tpu.memory_space<vmem>>) semaphore(%arg8 : memref<!tpu.dma_semaphore, #tpu.memory_space<semaphore_mem>>)
    %dma_start3A_49 = arith.constant 3 : i32
    %dma_start3A_50 = arith.constant 1 : i32
    %dma_start3A_51 = arith.constant 0 : i32
    %dma_start3A_52 = arith.constant 0 : i32
    %dma_start3A_53 = tpu.memref_slice %arg6[%dma_start3A_50, %dma_start3A_51, %dma_start3A_52] : memref<2x256x128xf32, #tpu.memory_space<vmem>> -> memref<1x256x128xf32, #tpu.memory_space<vmem>>
    %dma_start3A_54 = tpu.memref_squeeze %dma_start3A_53 : memref<1x256x128xf32, #tpu.memory_space<vmem>> -> memref<256x128xf32, #tpu.memory_space<vmem>>
    %dma_start3A_55 = arith.constant 128 : i32
    %dma_start3A_56 = arith.constant 0 : i32
    %dma_start3A_57 = tpu.memref_slice %dma_start3A_54[%dma_start3A_55, %dma_start3A_56] : memref<256x128xf32, #tpu.memory_space<vmem>> -> memref<128x128xf32, #tpu.memory_space<vmem>>
    %dma_start3A_58 = arith.constant 0 : i32
    %dma_start3A_59 = tpu.memref_slice %arg5[%dma_start3A_49, %dma_start3A_58] : memref<100x128xi32, #tpu.memory_space<vmem>> -> memref<1x128xi32, #tpu.memory_space<vmem>>
    %dma_start3A_60 = tpu.memref_squeeze %dma_start3A_59 : memref<1x128xi32, #tpu.memory_space<vmem>> -> memref<128xi32, #tpu.memory_space<vmem>>
    %dma_start3A_61 = arith.constant 0 : i32
    %dma_start3A_62 = arith.constant 0 : i32
    %dma_start3A_63 = tpu.memref_slice %arg3[%dma_start3A_61, %dma_start3A_62] : memref<1000000x128xf32, #tpu.memory_space<hbm>> -> memref<1000000x128xf32, #tpu.memory_space<hbm>>
    tpu.enqueue_indirect_dma source(%dma_start3A_63 : memref<1000000x128xf32, #tpu.memory_space<hbm>>) target(%dma_start3A_57 : memref<128x128xf32, #tpu.memory_space<vmem>>) offsets(%dma_start3A_60 : memref<128xi32, #tpu.memory_space<vmem>>) semaphore(%arg8 : memref<!tpu.dma_semaphore, #tpu.memory_space<semaphore_mem>>)
    %scan3A = arith.constant 0 : i32
    %scan3A_64 = arith.constant 25 : i32
    %scan3A_65 = arith.addi %scan3A, %scan3A_64 : i32
    %scan3A_66 = arith.constant 1 : i32
    scf.for %scan3A_68 = %scan3A to %scan3A_65 step %scan3A_66  : i32 {
      %mul3A_69 = arith.constant 2 : i32
      %mul3A_70 = arith.muli %scan3A_68, %mul3A_69 : i32
      %add3A_71 = arith.constant 0 : i32
      %add3A_72 = arith.addi %add3A_71, %mul3A_70 : i32
      %add3A_73 = arith.constant 0 : i32
      %add3A_74 = arith.addi %add3A_72, %add3A_73 : i32
      %mul3A_75 = arith.constant 2 : i32
      %mul3A_76 = arith.muli %add3A_74, %mul3A_75 : i32
      %add3A_77 = arith.constant 0 : i32
      %add3A_78 = arith.addi %mul3A_76, %add3A_77 : i32
      %dma_wait3A = arith.constant 0 : i32
      %dma_wait3A_79 = arith.constant 0 : i32
      %dma_wait3A_80 = arith.constant 0 : i32
      %dma_wait3A_81 = tpu.memref_slice %arg6[%dma_wait3A, %dma_wait3A_79, %dma_wait3A_80] : memref<2x256x128xf32, #tpu.memory_space<vmem>> -> memref<1x256x128xf32, #tpu.memory_space<vmem>>
      %dma_wait3A_82 = tpu.memref_squeeze %dma_wait3A_81 : memref<1x256x128xf32, #tpu.memory_space<vmem>> -> memref<256x128xf32, #tpu.memory_space<vmem>>
      %dma_wait3A_83 = arith.constant 0 : i32
      %dma_wait3A_84 = arith.constant 0 : i32
      %dma_wait3A_85 = tpu.memref_slice %dma_wait3A_82[%dma_wait3A_83, %dma_wait3A_84] : memref<256x128xf32, #tpu.memory_space<vmem>> -> memref<128x128xf32, #tpu.memory_space<vmem>>
      %dma_wait3A_86 = arith.constant 0 : i32
      %dma_wait3A_87 = tpu.memref_slice %arg5[%add3A_78, %dma_wait3A_86] : memref<100x128xi32, #tpu.memory_space<vmem>> -> memref<1x128xi32, #tpu.memory_space<vmem>>
      %dma_wait3A_88 = tpu.memref_squeeze %dma_wait3A_87 : memref<1x128xi32, #tpu.memory_space<vmem>> -> memref<128xi32, #tpu.memory_space<vmem>>
      %dma_wait3A_89 = arith.constant 0 : i32
      %dma_wait3A_90 = arith.constant 0 : i32
      %dma_wait3A_91 = tpu.memref_slice %arg3[%dma_wait3A_89, %dma_wait3A_90] : memref<1000000x128xf32, #tpu.memory_space<hbm>> -> memref<1000000x128xf32, #tpu.memory_space<hbm>>
      tpu.wait_indirect_dma semaphore(%arg7 : memref<!tpu.dma_semaphore, #tpu.memory_space<semaphore_mem>>) src(%dma_wait3A_91 : memref<1000000x128xf32, #tpu.memory_space<hbm>>) dst(%dma_wait3A_85 : memref<128x128xf32, #tpu.memory_space<vmem>>)
      %mul3A_92 = arith.constant 2 : i32
      %mul3A_93 = arith.muli %add3A_74, %mul3A_92 : i32
      %add3A_94 = arith.constant 1 : i32
      %add3A_95 = arith.addi %mul3A_93, %add3A_94 : i32
      %dma_wait3A_96 = arith.constant 0 : i32
      %dma_wait3A_97 = arith.constant 0 : i32
      %dma_wait3A_98 = arith.constant 0 : i32
      %dma_wait3A_99 = tpu.memref_slice %arg6[%dma_wait3A_96, %dma_wait3A_97, %dma_wait3A_98] : memref<2x256x128xf32, #tpu.memory_space<vmem>> -> memref<1x256x128xf32, #tpu.memory_space<vmem>>
      %dma_wait3A_100 = tpu.memref_squeeze %dma_wait3A_99 : memref<1x256x128xf32, #tpu.memory_space<vmem>> -> memref<256x128xf32, #tpu.memory_space<vmem>>
      %dma_wait3A_101 = arith.constant 128 : i32
      %dma_wait3A_102 = arith.constant 0 : i32
      %dma_wait3A_103 = tpu.memref_slice %dma_wait3A_100[%dma_wait3A_101, %dma_wait3A_102] : memref<256x128xf32, #tpu.memory_space<vmem>> -> memref<128x128xf32, #tpu.memory_space<vmem>>
      %dma_wait3A_104 = arith.constant 0 : i32
      %dma_wait3A_105 = tpu.memref_slice %arg5[%add3A_95, %dma_wait3A_104] : memref<100x128xi32, #tpu.memory_space<vmem>> -> memref<1x128xi32, #tpu.memory_space<vmem>>
      %dma_wait3A_106 = tpu.memref_squeeze %dma_wait3A_105 : memref<1x128xi32, #tpu.memory_space<vmem>> -> memref<128xi32, #tpu.memory_space<vmem>>
      %dma_wait3A_107 = arith.constant 0 : i32
      %dma_wait3A_108 = arith.constant 0 : i32
      %dma_wait3A_109 = tpu.memref_slice %arg3[%dma_wait3A_107, %dma_wait3A_108] : memref<1000000x128xf32, #tpu.memory_space<hbm>> -> memref<1000000x128xf32, #tpu.memory_space<hbm>>
      tpu.wait_indirect_dma semaphore(%arg7 : memref<!tpu.dma_semaphore, #tpu.memory_space<semaphore_mem>>) src(%dma_wait3A_109 : memref<1000000x128xf32, #tpu.memory_space<hbm>>) dst(%dma_wait3A_103 : memref<128x128xf32, #tpu.memory_space<vmem>>)
      %mul3A_110 = arith.constant 256 : i32
      %mul3A_111 = arith.muli %add3A_74, %mul3A_110 : i32
      %add3A_112 = arith.addi %mul3A_4, %mul3A_111 : i32
      %run_scoped3A = arith.constant 0 : i32
      "tpu.region"() ({
        %run_scoped3A_166 = tpu.sem_alloc : memref<!tpu.dma_semaphore, #tpu.memory_space<semaphore_mem>>
        %dma_start3A_167 = arith.constant 0 : i32
        %dma_start3A_168 = arith.constant 0 : i32
        %dma_start3A_169 = tpu.memref_slice %arg6[%run_scoped3A, %dma_start3A_167, %dma_start3A_168] : memref<2x256x128xf32, #tpu.memory_space<vmem>> -> memref<1x256x128xf32, #tpu.memory_space<vmem>>
        %dma_start3A_170 = tpu.memref_squeeze %dma_start3A_169 : memref<1x256x128xf32, #tpu.memory_space<vmem>> -> memref<256x128xf32, #tpu.memory_space<vmem>>
        %dma_start3A_171 = arith.constant 0 : i32
        %dma_start3A_172 = arith.constant 0 : i32
        %dma_start3A_173 = tpu.memref_slice %dma_start3A_170[%dma_start3A_171, %dma_start3A_172] : memref<256x128xf32, #tpu.memory_space<vmem>> -> memref<256x64xf32, #tpu.memory_space<vmem>>
        %dma_start3A_174 = arith.constant 0 : i32
        %dma_start3A_175 = tpu.memref_slice %arg4[%add3A_112, %dma_start3A_174] : memref<409600x128xf32, #tpu.memory_space<hbm>> -> memref<256x64xf32, #tpu.memory_space<hbm>>
        %dma_start3A_176 = arith.constant 0 : i32
        %dma_start3A_177 = tpu.memref_slice %arg4[%add3A_112, %dma_start3A_176] : memref<409600x128xf32, #tpu.memory_space<hbm>> -> memref<256x64xf32, #tpu.memory_space<hbm>>
        %dma_start3A_178 = arith.constant 0 : i32
        %dma_start3A_179 = arith.constant 0 : i32
        %dma_start3A_180 = tpu.memref_slice %arg6[%run_scoped3A, %dma_start3A_178, %dma_start3A_179] : memref<2x256x128xf32, #tpu.memory_space<vmem>> -> memref<1x256x128xf32, #tpu.memory_space<vmem>>
        %dma_start3A_181 = tpu.memref_squeeze %dma_start3A_180 : memref<1x256x128xf32, #tpu.memory_space<vmem>> -> memref<256x128xf32, #tpu.memory_space<vmem>>
        %dma_start3A_182 = arith.constant 0 : i32
        %dma_start3A_183 = arith.constant 0 : i32
        %dma_start3A_184 = tpu.memref_slice %dma_start3A_181[%dma_start3A_182, %dma_start3A_183] : memref<256x128xf32, #tpu.memory_space<vmem>> -> memref<256x64xf32, #tpu.memory_space<vmem>>
        tpu.enqueue_dma source(%dma_start3A_184 : memref<256x64xf32, #tpu.memory_space<vmem>>) target(%dma_start3A_177 : memref<256x64xf32, #tpu.memory_space<hbm>>) target_semaphore(%run_scoped3A_166 : memref<!tpu.dma_semaphore, #tpu.memory_space<semaphore_mem>>)
        %dma_wait3A_185 = arith.constant 0 : i32
        %dma_wait3A_186 = arith.constant 0 : i32
        %dma_wait3A_187 = tpu.memref_slice %arg6[%run_scoped3A, %dma_wait3A_185, %dma_wait3A_186] : memref<2x256x128xf32, #tpu.memory_space<vmem>> -> memref<1x256x128xf32, #tpu.memory_space<vmem>>
        %dma_wait3A_188 = tpu.memref_squeeze %dma_wait3A_187 : memref<1x256x128xf32, #tpu.memory_space<vmem>> -> memref<256x128xf32, #tpu.memory_space<vmem>>
        %dma_wait3A_189 = arith.constant 0 : i32
        %dma_wait3A_190 = arith.constant 0 : i32
        %dma_wait3A_191 = tpu.memref_slice %dma_wait3A_188[%dma_wait3A_189, %dma_wait3A_190] : memref<256x128xf32, #tpu.memory_space<vmem>> -> memref<256x64xf32, #tpu.memory_space<vmem>>
        %dma_wait3A_192 = arith.constant 0 : i32
        %dma_wait3A_193 = tpu.memref_slice %arg4[%add3A_112, %dma_wait3A_192] : memref<409600x128xf32, #tpu.memory_space<hbm>> -> memref<256x64xf32, #tpu.memory_space<hbm>>
        %dma_wait3A_194 = arith.constant 0 : i32
        %dma_wait3A_195 = tpu.memref_slice %arg4[%add3A_112, %dma_wait3A_194] : memref<409600x128xf32, #tpu.memory_space<hbm>> -> memref<256x64xf32, #tpu.memory_space<hbm>>
        %dma_wait3A_196 = arith.constant 0 : i32
        %dma_wait3A_197 = arith.constant 0 : i32
        %dma_wait3A_198 = tpu.memref_slice %arg6[%run_scoped3A, %dma_wait3A_196, %dma_wait3A_197] : memref<2x256x128xf32, #tpu.memory_space<vmem>> -> memref<1x256x128xf32, #tpu.memory_space<vmem>>
        %dma_wait3A_199 = tpu.memref_squeeze %dma_wait3A_198 : memref<1x256x128xf32, #tpu.memory_space<vmem>> -> memref<256x128xf32, #tpu.memory_space<vmem>>
        %dma_wait3A_200 = arith.constant 0 : i32
        %dma_wait3A_201 = arith.constant 0 : i32
        %dma_wait3A_202 = tpu.memref_slice %dma_wait3A_199[%dma_wait3A_200, %dma_wait3A_201] : memref<256x128xf32, #tpu.memory_space<vmem>> -> memref<256x64xf32, #tpu.memory_space<vmem>>
        tpu.wait_dma2 semaphore(%run_scoped3A_166 : memref<!tpu.dma_semaphore, #tpu.memory_space<semaphore_mem>>) src(%dma_wait3A_202 : memref<256x64xf32, #tpu.memory_space<vmem>>) dst(%dma_wait3A_195 : memref<256x64xf32, #tpu.memory_space<hbm>>)
        tpu.yield
      }) : () -> ()
      %add3A_113 = arith.constant 2 : i32
      %add3A_114 = arith.addi %add3A_74, %add3A_113 : i32
      %lt3A = arith.constant 50 : i32
      %lt3A_115 = arith.cmpi slt, %add3A_114, %lt3A : i32
      %convert_element_type3A = arith.extui %lt3A_115 : i1 to i32
      %cond3A = arith.constant 0 : i32
      %cond3A_116 = arith.cmpi ne, %convert_element_type3A, %cond3A : i32
      scf.if %cond3A_116 {
        %mul3A_166 = arith.constant 2 : i32
        %mul3A_167 = arith.muli %add3A_114, %mul3A_166 : i32
        %add3A_168 = arith.constant 0 : i32
        %add3A_169 = arith.addi %mul3A_167, %add3A_168 : i32
        %dma_start3A_170 = arith.constant 0 : i32
        %dma_start3A_171 = arith.constant 0 : i32
        %dma_start3A_172 = arith.constant 0 : i32
        %dma_start3A_173 = tpu.memref_slice %arg6[%dma_start3A_170, %dma_start3A_171, %dma_start3A_172] : memref<2x256x128xf32, #tpu.memory_space<vmem>> -> memref<1x256x128xf32, #tpu.memory_space<vmem>>
        %dma_start3A_174 = tpu.memref_squeeze %dma_start3A_173 : memref<1x256x128xf32, #tpu.memory_space<vmem>> -> memref<256x128xf32, #tpu.memory_space<vmem>>
        %dma_start3A_175 = arith.constant 0 : i32
        %dma_start3A_176 = arith.constant 0 : i32
        %dma_start3A_177 = tpu.memref_slice %dma_start3A_174[%dma_start3A_175, %dma_start3A_176] : memref<256x128xf32, #tpu.memory_space<vmem>> -> memref<128x128xf32, #tpu.memory_space<vmem>>
        %dma_start3A_178 = arith.constant 0 : i32
        %dma_start3A_179 = tpu.memref_slice %arg5[%add3A_169, %dma_start3A_178] : memref<100x128xi32, #tpu.memory_space<vmem>> -> memref<1x128xi32, #tpu.memory_space<vmem>>
        %dma_start3A_180 = tpu.memref_squeeze %dma_start3A_179 : memref<1x128xi32, #tpu.memory_space<vmem>> -> memref<128xi32, #tpu.memory_space<vmem>>
        %dma_start3A_181 = arith.constant 0 : i32
        %dma_start3A_182 = arith.constant 0 : i32
        %dma_start3A_183 = tpu.memref_slice %arg3[%dma_start3A_181, %dma_start3A_182] : memref<1000000x128xf32, #tpu.memory_space<hbm>> -> memref<1000000x128xf32, #tpu.memory_space<hbm>>
        tpu.enqueue_indirect_dma source(%dma_start3A_183 : memref<1000000x128xf32, #tpu.memory_space<hbm>>) target(%dma_start3A_177 : memref<128x128xf32, #tpu.memory_space<vmem>>) offsets(%dma_start3A_180 : memref<128xi32, #tpu.memory_space<vmem>>) semaphore(%arg7 : memref<!tpu.dma_semaphore, #tpu.memory_space<semaphore_mem>>)
        %mul3A_184 = arith.constant 2 : i32
        %mul3A_185 = arith.muli %add3A_114, %mul3A_184 : i32
        %add3A_186 = arith.constant 1 : i32
        %add3A_187 = arith.addi %mul3A_185, %add3A_186 : i32
        %dma_start3A_188 = arith.constant 0 : i32
        %dma_start3A_189 = arith.constant 0 : i32
        %dma_start3A_190 = arith.constant 0 : i32
        %dma_start3A_191 = tpu.memref_slice %arg6[%dma_start3A_188, %dma_start3A_189, %dma_start3A_190] : memref<2x256x128xf32, #tpu.memory_space<vmem>> -> memref<1x256x128xf32, #tpu.memory_space<vmem>>
        %dma_start3A_192 = tpu.memref_squeeze %dma_start3A_191 : memref<1x256x128xf32, #tpu.memory_space<vmem>> -> memref<256x128xf32, #tpu.memory_space<vmem>>
        %dma_start3A_193 = arith.constant 128 : i32
        %dma_start3A_194 = arith.constant 0 : i32
        %dma_start3A_195 = tpu.memref_slice %dma_start3A_192[%dma_start3A_193, %dma_start3A_194] : memref<256x128xf32, #tpu.memory_space<vmem>> -> memref<128x128xf32, #tpu.memory_space<vmem>>
        %dma_start3A_196 = arith.constant 0 : i32
        %dma_start3A_197 = tpu.memref_slice %arg5[%add3A_187, %dma_start3A_196] : memref<100x128xi32, #tpu.memory_space<vmem>> -> memref<1x128xi32, #tpu.memory_space<vmem>>
        %dma_start3A_198 = tpu.memref_squeeze %dma_start3A_197 : memref<1x128xi32, #tpu.memory_space<vmem>> -> memref<128xi32, #tpu.memory_space<vmem>>
        %dma_start3A_199 = arith.constant 0 : i32
        %dma_start3A_200 = arith.constant 0 : i32
        %dma_start3A_201 = tpu.memref_slice %arg3[%dma_start3A_199, %dma_start3A_200] : memref<1000000x128xf32, #tpu.memory_space<hbm>> -> memref<1000000x128xf32, #tpu.memory_space<hbm>>
        tpu.enqueue_indirect_dma source(%dma_start3A_201 : memref<1000000x128xf32, #tpu.memory_space<hbm>>) target(%dma_start3A_195 : memref<128x128xf32, #tpu.memory_space<vmem>>) offsets(%dma_start3A_198 : memref<128xi32, #tpu.memory_space<vmem>>) semaphore(%arg7 : memref<!tpu.dma_semaphore, #tpu.memory_space<semaphore_mem>>)
      } else {
      }
      %add3A_117 = arith.constant 1 : i32
      %add3A_118 = arith.addi %add3A_72, %add3A_117 : i32
      %mul3A_119 = arith.constant 2 : i32
      %mul3A_120 = arith.muli %add3A_118, %mul3A_119 : i32
      %add3A_121 = arith.constant 0 : i32
      %add3A_122 = arith.addi %mul3A_120, %add3A_121 : i32
      %dma_wait3A_123 = arith.constant 1 : i32
      %dma_wait3A_124 = arith.constant 0 : i32
      %dma_wait3A_125 = arith.constant 0 : i32
      %dma_wait3A_126 = tpu.memref_slice %arg6[%dma_wait3A_123, %dma_wait3A_124, %dma_wait3A_125] : memref<2x256x128xf32, #tpu.memory_space<vmem>> -> memref<1x256x128xf32, #tpu.memory_space<vmem>>
      %dma_wait3A_127 = tpu.memref_squeeze %dma_wait3A_126 : memref<1x256x128xf32, #tpu.memory_space<vmem>> -> memref<256x128xf32, #tpu.memory_space<vmem>>
      %dma_wait3A_128 = arith.constant 0 : i32
      %dma_wait3A_129 = arith.constant 0 : i32
      %dma_wait3A_130 = tpu.memref_slice %dma_wait3A_127[%dma_wait3A_128, %dma_wait3A_129] : memref<256x128xf32, #tpu.memory_space<vmem>> -> memref<128x128xf32, #tpu.memory_space<vmem>>
      %dma_wait3A_131 = arith.constant 0 : i32
      %dma_wait3A_132 = tpu.memref_slice %arg5[%add3A_122, %dma_wait3A_131] : memref<100x128xi32, #tpu.memory_space<vmem>> -> memref<1x128xi32, #tpu.memory_space<vmem>>
      %dma_wait3A_133 = tpu.memref_squeeze %dma_wait3A_132 : memref<1x128xi32, #tpu.memory_space<vmem>> -> memref<128xi32, #tpu.memory_space<vmem>>
      %dma_wait3A_134 = arith.constant 0 : i32
      %dma_wait3A_135 = arith.constant 0 : i32
      %dma_wait3A_136 = tpu.memref_slice %arg3[%dma_wait3A_134, %dma_wait3A_135] : memref<1000000x128xf32, #tpu.memory_space<hbm>> -> memref<1000000x128xf32, #tpu.memory_space<hbm>>
      tpu.wait_indirect_dma semaphore(%arg8 : memref<!tpu.dma_semaphore, #tpu.memory_space<semaphore_mem>>) src(%dma_wait3A_136 : memref<1000000x128xf32, #tpu.memory_space<hbm>>) dst(%dma_wait3A_130 : memref<128x128xf32, #tpu.memory_space<vmem>>)
      %mul3A_137 = arith.constant 2 : i32
      %mul3A_138 = arith.muli %add3A_118, %mul3A_137 : i32
      %add3A_139 = arith.constant 1 : i32
      %add3A_140 = arith.addi %mul3A_138, %add3A_139 : i32
      %dma_wait3A_141 = arith.constant 1 : i32
      %dma_wait3A_142 = arith.constant 0 : i32
      %dma_wait3A_143 = arith.constant 0 : i32
      %dma_wait3A_144 = tpu.memref_slice %arg6[%dma_wait3A_141, %dma_wait3A_142, %dma_wait3A_143] : memref<2x256x128xf32, #tpu.memory_space<vmem>> -> memref<1x256x128xf32, #tpu.memory_space<vmem>>
      %dma_wait3A_145 = tpu.memref_squeeze %dma_wait3A_144 : memref<1x256x128xf32, #tpu.memory_space<vmem>> -> memref<256x128xf32, #tpu.memory_space<vmem>>
      %dma_wait3A_146 = arith.constant 128 : i32
      %dma_wait3A_147 = arith.constant 0 : i32
      %dma_wait3A_148 = tpu.memref_slice %dma_wait3A_145[%dma_wait3A_146, %dma_wait3A_147] : memref<256x128xf32, #tpu.memory_space<vmem>> -> memref<128x128xf32, #tpu.memory_space<vmem>>
      %dma_wait3A_149 = arith.constant 0 : i32
      %dma_wait3A_150 = tpu.memref_slice %arg5[%add3A_140, %dma_wait3A_149] : memref<100x128xi32, #tpu.memory_space<vmem>> -> memref<1x128xi32, #tpu.memory_space<vmem>>
      %dma_wait3A_151 = tpu.memref_squeeze %dma_wait3A_150 : memref<1x128xi32, #tpu.memory_space<vmem>> -> memref<128xi32, #tpu.memory_space<vmem>>
      %dma_wait3A_152 = arith.constant 0 : i32
      %dma_wait3A_153 = arith.constant 0 : i32
      %dma_wait3A_154 = tpu.memref_slice %arg3[%dma_wait3A_152, %dma_wait3A_153] : memref<1000000x128xf32, #tpu.memory_space<hbm>> -> memref<1000000x128xf32, #tpu.memory_space<hbm>>
      tpu.wait_indirect_dma semaphore(%arg8 : memref<!tpu.dma_semaphore, #tpu.memory_space<semaphore_mem>>) src(%dma_wait3A_154 : memref<1000000x128xf32, #tpu.memory_space<hbm>>) dst(%dma_wait3A_148 : memref<128x128xf32, #tpu.memory_space<vmem>>)
      %mul3A_155 = arith.constant 256 : i32
      %mul3A_156 = arith.muli %add3A_118, %mul3A_155 : i32
      %add3A_157 = arith.addi %mul3A_4, %mul3A_156 : i32
      %run_scoped3A_158 = arith.constant 1 : i32
      "tpu.region"() ({
        %run_scoped3A_166 = tpu.sem_alloc : memref<!tpu.dma_semaphore, #tpu.memory_space<semaphore_mem>>
        %dma_start3A_167 = arith.constant 0 : i32
        %dma_start3A_168 = arith.constant 0 : i32
        %dma_start3A_169 = tpu.memref_slice %arg6[%run_scoped3A_158, %dma_start3A_167, %dma_start3A_168] : memref<2x256x128xf32, #tpu.memory_space<vmem>> -> memref<1x256x128xf32, #tpu.memory_space<vmem>>
        %dma_start3A_170 = tpu.memref_squeeze %dma_start3A_169 : memref<1x256x128xf32, #tpu.memory_space<vmem>> -> memref<256x128xf32, #tpu.memory_space<vmem>>
        %dma_start3A_171 = arith.constant 0 : i32
        %dma_start3A_172 = arith.constant 0 : i32
        %dma_start3A_173 = tpu.memref_slice %dma_start3A_170[%dma_start3A_171, %dma_start3A_172] : memref<256x128xf32, #tpu.memory_space<vmem>> -> memref<256x64xf32, #tpu.memory_space<vmem>>
        %dma_start3A_174 = arith.constant 0 : i32
        %dma_start3A_175 = tpu.memref_slice %arg4[%add3A_157, %dma_start3A_174] : memref<409600x128xf32, #tpu.memory_space<hbm>> -> memref<256x64xf32, #tpu.memory_space<hbm>>
        %dma_start3A_176 = arith.constant 0 : i32
        %dma_start3A_177 = tpu.memref_slice %arg4[%add3A_157, %dma_start3A_176] : memref<409600x128xf32, #tpu.memory_space<hbm>> -> memref<256x64xf32, #tpu.memory_space<hbm>>
        %dma_start3A_178 = arith.constant 0 : i32
        %dma_start3A_179 = arith.constant 0 : i32
        %dma_start3A_180 = tpu.memref_slice %arg6[%run_scoped3A_158, %dma_start3A_178, %dma_start3A_179] : memref<2x256x128xf32, #tpu.memory_space<vmem>> -> memref<1x256x128xf32, #tpu.memory_space<vmem>>
        %dma_start3A_181 = tpu.memref_squeeze %dma_start3A_180 : memref<1x256x128xf32, #tpu.memory_space<vmem>> -> memref<256x128xf32, #tpu.memory_space<vmem>>
        %dma_start3A_182 = arith.constant 0 : i32
        %dma_start3A_183 = arith.constant 0 : i32
        %dma_start3A_184 = tpu.memref_slice %dma_start3A_181[%dma_start3A_182, %dma_start3A_183] : memref<256x128xf32, #tpu.memory_space<vmem>> -> memref<256x64xf32, #tpu.memory_space<vmem>>
        tpu.enqueue_dma source(%dma_start3A_184 : memref<256x64xf32, #tpu.memory_space<vmem>>) target(%dma_start3A_177 : memref<256x64xf32, #tpu.memory_space<hbm>>) target_semaphore(%run_scoped3A_166 : memref<!tpu.dma_semaphore, #tpu.memory_space<semaphore_mem>>)
        %dma_wait3A_185 = arith.constant 0 : i32
        %dma_wait3A_186 = arith.constant 0 : i32
        %dma_wait3A_187 = tpu.memref_slice %arg6[%run_scoped3A_158, %dma_wait3A_185, %dma_wait3A_186] : memref<2x256x128xf32, #tpu.memory_space<vmem>> -> memref<1x256x128xf32, #tpu.memory_space<vmem>>
        %dma_wait3A_188 = tpu.memref_squeeze %dma_wait3A_187 : memref<1x256x128xf32, #tpu.memory_space<vmem>> -> memref<256x128xf32, #tpu.memory_space<vmem>>
        %dma_wait3A_189 = arith.constant 0 : i32
        %dma_wait3A_190 = arith.constant 0 : i32
        %dma_wait3A_191 = tpu.memref_slice %dma_wait3A_188[%dma_wait3A_189, %dma_wait3A_190] : memref<256x128xf32, #tpu.memory_space<vmem>> -> memref<256x64xf32, #tpu.memory_space<vmem>>
        %dma_wait3A_192 = arith.constant 0 : i32
        %dma_wait3A_193 = tpu.memref_slice %arg4[%add3A_157, %dma_wait3A_192] : memref<409600x128xf32, #tpu.memory_space<hbm>> -> memref<256x64xf32, #tpu.memory_space<hbm>>
        %dma_wait3A_194 = arith.constant 0 : i32
        %dma_wait3A_195 = tpu.memref_slice %arg4[%add3A_157, %dma_wait3A_194] : memref<409600x128xf32, #tpu.memory_space<hbm>> -> memref<256x64xf32, #tpu.memory_space<hbm>>
        %dma_wait3A_196 = arith.constant 0 : i32
        %dma_wait3A_197 = arith.constant 0 : i32
        %dma_wait3A_198 = tpu.memref_slice %arg6[%run_scoped3A_158, %dma_wait3A_196, %dma_wait3A_197] : memref<2x256x128xf32, #tpu.memory_space<vmem>> -> memref<1x256x128xf32, #tpu.memory_space<vmem>>
        %dma_wait3A_199 = tpu.memref_squeeze %dma_wait3A_198 : memref<1x256x128xf32, #tpu.memory_space<vmem>> -> memref<256x128xf32, #tpu.memory_space<vmem>>
        %dma_wait3A_200 = arith.constant 0 : i32
        %dma_wait3A_201 = arith.constant 0 : i32
        %dma_wait3A_202 = tpu.memref_slice %dma_wait3A_199[%dma_wait3A_200, %dma_wait3A_201] : memref<256x128xf32, #tpu.memory_space<vmem>> -> memref<256x64xf32, #tpu.memory_space<vmem>>
        tpu.wait_dma2 semaphore(%run_scoped3A_166 : memref<!tpu.dma_semaphore, #tpu.memory_space<semaphore_mem>>) src(%dma_wait3A_202 : memref<256x64xf32, #tpu.memory_space<vmem>>) dst(%dma_wait3A_195 : memref<256x64xf32, #tpu.memory_space<hbm>>)
        tpu.yield
      }) : () -> ()
      %add3A_159 = arith.constant 2 : i32
      %add3A_160 = arith.addi %add3A_118, %add3A_159 : i32
      %lt3A_161 = arith.constant 50 : i32
      %lt3A_162 = arith.cmpi slt, %add3A_160, %lt3A_161 : i32
      %convert_element_type3A_163 = arith.extui %lt3A_162 : i1 to i32
      %cond3A_164 = arith.constant 0 : i32
      %cond3A_165 = arith.cmpi ne, %convert_element_type3A_163, %cond3A_164 : i32
      scf.if %cond3A_165 {
        %mul3A_166 = arith.constant 2 : i32
        %mul3A_167 = arith.muli %add3A_160, %mul3A_166 : i32
        %add3A_168 = arith.constant 0 : i32
        %add3A_169 = arith.addi %mul3A_167, %add3A_168 : i32
        %dma_start3A_170 = arith.constant 1 : i32
        %dma_start3A_171 = arith.constant 0 : i32
        %dma_start3A_172 = arith.constant 0 : i32
        %dma_start3A_173 = tpu.memref_slice %arg6[%dma_start3A_170, %dma_start3A_171, %dma_start3A_172] : memref<2x256x128xf32, #tpu.memory_space<vmem>> -> memref<1x256x128xf32, #tpu.memory_space<vmem>>
        %dma_start3A_174 = tpu.memref_squeeze %dma_start3A_173 : memref<1x256x128xf32, #tpu.memory_space<vmem>> -> memref<256x128xf32, #tpu.memory_space<vmem>>
        %dma_start3A_175 = arith.constant 0 : i32
        %dma_start3A_176 = arith.constant 0 : i32
        %dma_start3A_177 = tpu.memref_slice %dma_start3A_174[%dma_start3A_175, %dma_start3A_176] : memref<256x128xf32, #tpu.memory_space<vmem>> -> memref<128x128xf32, #tpu.memory_space<vmem>>
        %dma_start3A_178 = arith.constant 0 : i32
        %dma_start3A_179 = tpu.memref_slice %arg5[%add3A_169, %dma_start3A_178] : memref<100x128xi32, #tpu.memory_space<vmem>> -> memref<1x128xi32, #tpu.memory_space<vmem>>
        %dma_start3A_180 = tpu.memref_squeeze %dma_start3A_179 : memref<1x128xi32, #tpu.memory_space<vmem>> -> memref<128xi32, #tpu.memory_space<vmem>>
        %dma_start3A_181 = arith.constant 0 : i32
        %dma_start3A_182 = arith.constant 0 : i32
        %dma_start3A_183 = tpu.memref_slice %arg3[%dma_start3A_181, %dma_start3A_182] : memref<1000000x128xf32, #tpu.memory_space<hbm>> -> memref<1000000x128xf32, #tpu.memory_space<hbm>>
        tpu.enqueue_indirect_dma source(%dma_start3A_183 : memref<1000000x128xf32, #tpu.memory_space<hbm>>) target(%dma_start3A_177 : memref<128x128xf32, #tpu.memory_space<vmem>>) offsets(%dma_start3A_180 : memref<128xi32, #tpu.memory_space<vmem>>) semaphore(%arg8 : memref<!tpu.dma_semaphore, #tpu.memory_space<semaphore_mem>>)
        %mul3A_184 = arith.constant 2 : i32
        %mul3A_185 = arith.muli %add3A_160, %mul3A_184 : i32
        %add3A_186 = arith.constant 1 : i32
        %add3A_187 = arith.addi %mul3A_185, %add3A_186 : i32
        %dma_start3A_188 = arith.constant 1 : i32
        %dma_start3A_189 = arith.constant 0 : i32
        %dma_start3A_190 = arith.constant 0 : i32
        %dma_start3A_191 = tpu.memref_slice %arg6[%dma_start3A_188, %dma_start3A_189, %dma_start3A_190] : memref<2x256x128xf32, #tpu.memory_space<vmem>> -> memref<1x256x128xf32, #tpu.memory_space<vmem>>
        %dma_start3A_192 = tpu.memref_squeeze %dma_start3A_191 : memref<1x256x128xf32, #tpu.memory_space<vmem>> -> memref<256x128xf32, #tpu.memory_space<vmem>>
        %dma_start3A_193 = arith.constant 128 : i32
        %dma_start3A_194 = arith.constant 0 : i32
        %dma_start3A_195 = tpu.memref_slice %dma_start3A_192[%dma_start3A_193, %dma_start3A_194] : memref<256x128xf32, #tpu.memory_space<vmem>> -> memref<128x128xf32, #tpu.memory_space<vmem>>
        %dma_start3A_196 = arith.constant 0 : i32
        %dma_start3A_197 = tpu.memref_slice %arg5[%add3A_187, %dma_start3A_196] : memref<100x128xi32, #tpu.memory_space<vmem>> -> memref<1x128xi32, #tpu.memory_space<vmem>>
        %dma_start3A_198 = tpu.memref_squeeze %dma_start3A_197 : memref<1x128xi32, #tpu.memory_space<vmem>> -> memref<128xi32, #tpu.memory_space<vmem>>
        %dma_start3A_199 = arith.constant 0 : i32
        %dma_start3A_200 = arith.constant 0 : i32
        %dma_start3A_201 = tpu.memref_slice %arg3[%dma_start3A_199, %dma_start3A_200] : memref<1000000x128xf32, #tpu.memory_space<hbm>> -> memref<1000000x128xf32, #tpu.memory_space<hbm>>
        tpu.enqueue_indirect_dma source(%dma_start3A_201 : memref<1000000x128xf32, #tpu.memory_space<hbm>>) target(%dma_start3A_195 : memref<128x128xf32, #tpu.memory_space<vmem>>) offsets(%dma_start3A_198 : memref<128xi32, #tpu.memory_space<vmem>>) semaphore(%arg8 : memref<!tpu.dma_semaphore, #tpu.memory_space<semaphore_mem>>)
      } else {
      }
    }
    %scan3A_67 = arith.constant 25 : i32
    return
  }
}

#map = affine_map<(d0, d1) -> (0, 0, 0)>
#map1 = affine_map<(d0, d1) -> (0, 0)>
module attributes {stable_mosaic.version = 14 : i64} {
  func.func @body(%arg0: i32, %arg1: i32, %arg2: memref<32x100x128xi32, #tpu.memory_space<hbm>>, %arg3: memref<1000000x128xf32, #tpu.memory_space<hbm>>, %arg4: memref<409600x128xf32, #tpu.memory_space<hbm>>, %arg5: memref<100x128xi32, #tpu.memory_space<vmem>>, %arg6: memref<2x256x128xf32, #tpu.memory_space<vmem>>, %arg7: memref<!tpu.dma_semaphore, #tpu.memory_space<semaphore_mem>>, %arg8: memref<!tpu.dma_semaphore, #tpu.memory_space<semaphore_mem>>) attributes {dimension_semantics = [#tpu.dimension_semantics<core_parallel>, #tpu.dimension_semantics<subcore_parallel>], iteration_bounds = array<i64: 2, 16>, scalar_prefetch = 0 : i64, scratch_operands = 4 : i64, tpu.core_type = #tpu.core_type<sc_vector_subcore>, window_params = [{transform_indices = #map}, {transform_indices = #map1}, {transform_indices = #map1}]} {
    %mul3A = arith.constant 2 : i32
    %mul3A_0 = arith.muli %arg1, %mul3A : i32
    %add3A = arith.addi %mul3A_0, %arg0 : i32
    %mul3A_1 = arith.constant 100 : i32
    %mul3A_2 = arith.muli %add3A, %mul3A_1 : i32
    %mul3A_3 = arith.constant 128 : i32
    %mul3A_4 = arith.muli %mul3A_2, %mul3A_3 : i32
    "tpu.region"() ({
      %run_scoped3A = tpu.sem_alloc : memref<!tpu.dma_semaphore, #tpu.memory_space<semaphore_mem>>
      %dma_start3A_68 = arith.constant 0 : i32
      %dma_start3A_69 = arith.constant 0 : i32
      %dma_start3A_70 = tpu.memref_slice %arg2[%add3A, %dma_start3A_68, %dma_start3A_69] : memref<32x100x128xi32, #tpu.memory_space<hbm>> -> memref<1x100x128xi32, #tpu.memory_space<hbm>>
      %dma_start3A_71 = tpu.memref_squeeze %dma_start3A_70 : memref<1x100x128xi32, #tpu.memory_space<hbm>> -> memref<100x128xi32, #tpu.memory_space<hbm>>
      %dma_start3A_72 = arith.constant 0 : i32
      %dma_start3A_73 = arith.constant 0 : i32
      %dma_start3A_74 = tpu.memref_slice %arg2[%add3A, %dma_start3A_72, %dma_start3A_73] : memref<32x100x128xi32, #tpu.memory_space<hbm>> -> memref<1x100x128xi32, #tpu.memory_space<hbm>>
      %dma_start3A_75 = tpu.memref_squeeze %dma_start3A_74 : memref<1x100x128xi32, #tpu.memory_space<hbm>> -> memref<100x128xi32, #tpu.memory_space<hbm>>
      tpu.enqueue_dma source(%dma_start3A_75 : memref<100x128xi32, #tpu.memory_space<hbm>>) target(%arg5 : memref<100x128xi32, #tpu.memory_space<vmem>>) target_semaphore(%run_scoped3A : memref<!tpu.dma_semaphore, #tpu.memory_space<semaphore_mem>>)
      %dma_wait3A = arith.constant 0 : i32
      %dma_wait3A_76 = arith.constant 0 : i32
      %dma_wait3A_77 = tpu.memref_slice %arg2[%add3A, %dma_wait3A, %dma_wait3A_76] : memref<32x100x128xi32, #tpu.memory_space<hbm>> -> memref<1x100x128xi32, #tpu.memory_space<hbm>>
      %dma_wait3A_78 = tpu.memref_squeeze %dma_wait3A_77 : memref<1x100x128xi32, #tpu.memory_space<hbm>> -> memref<100x128xi32, #tpu.memory_space<hbm>>
      %dma_wait3A_79 = arith.constant 0 : i32
      %dma_wait3A_80 = arith.constant 0 : i32
      %dma_wait3A_81 = tpu.memref_slice %arg2[%add3A, %dma_wait3A_79, %dma_wait3A_80] : memref<32x100x128xi32, #tpu.memory_space<hbm>> -> memref<1x100x128xi32, #tpu.memory_space<hbm>>
      %dma_wait3A_82 = tpu.memref_squeeze %dma_wait3A_81 : memref<1x100x128xi32, #tpu.memory_space<hbm>> -> memref<100x128xi32, #tpu.memory_space<hbm>>
      tpu.wait_dma2 semaphore(%run_scoped3A : memref<!tpu.dma_semaphore, #tpu.memory_space<semaphore_mem>>) src(%dma_wait3A_82 : memref<100x128xi32, #tpu.memory_space<hbm>>) dst(%arg5 : memref<100x128xi32, #tpu.memory_space<vmem>>)
      tpu.yield
    }) : () -> ()
    %dma_start3A = arith.constant 0 : i32
    %dma_start3A_5 = arith.constant 0 : i32
    %dma_start3A_6 = arith.constant 0 : i32
    %dma_start3A_7 = arith.constant 0 : i32
    %dma_start3A_8 = tpu.memref_slice %arg6[%dma_start3A_5, %dma_start3A_6, %dma_start3A_7] : memref<2x256x128xf32, #tpu.memory_space<vmem>> -> memref<1x256x128xf32, #tpu.memory_space<vmem>>
    %dma_start3A_9 = tpu.memref_squeeze %dma_start3A_8 : memref<1x256x128xf32, #tpu.memory_space<vmem>> -> memref<256x128xf32, #tpu.memory_space<vmem>>
    %dma_start3A_10 = arith.constant 0 : i32
    %dma_start3A_11 = arith.constant 0 : i32
    %dma_start3A_12 = tpu.memref_slice %dma_start3A_9[%dma_start3A_10, %dma_start3A_11] : memref<256x128xf32, #tpu.memory_space<vmem>> -> memref<128x128xf32, #tpu.memory_space<vmem>>
    %dma_start3A_13 = arith.constant 0 : i32
    %dma_start3A_14 = tpu.memref_slice %arg5[%dma_start3A, %dma_start3A_13] : memref<100x128xi32, #tpu.memory_space<vmem>> -> memref<1x128xi32, #tpu.memory_space<vmem>>
    %dma_start3A_15 = tpu.memref_squeeze %dma_start3A_14 : memref<1x128xi32, #tpu.memory_space<vmem>> -> memref<128xi32, #tpu.memory_space<vmem>>
    %dma_start3A_16 = arith.constant 0 : i32
    %dma_start3A_17 = arith.constant 0 : i32
    %dma_start3A_18 = tpu.memref_slice %arg3[%dma_start3A_16, %dma_start3A_17] : memref<1000000x128xf32, #tpu.memory_space<hbm>> -> memref<1000000x128xf32, #tpu.memory_space<hbm>>
    tpu.enqueue_indirect_dma source(%dma_start3A_18 : memref<1000000x128xf32, #tpu.memory_space<hbm>>) target(%dma_start3A_12 : memref<128x128xf32, #tpu.memory_space<vmem>>) offsets(%dma_start3A_15 : memref<128xi32, #tpu.memory_space<vmem>>) semaphore(%arg7 : memref<!tpu.dma_semaphore, #tpu.memory_space<semaphore_mem>>)
    %dma_start3A_19 = arith.constant 1 : i32
    %dma_start3A_20 = arith.constant 0 : i32
    %dma_start3A_21 = arith.constant 0 : i32
    %dma_start3A_22 = arith.constant 0 : i32
    %dma_start3A_23 = tpu.memref_slice %arg6[%dma_start3A_20, %dma_start3A_21, %dma_start3A_22] : memref<2x256x128xf32, #tpu.memory_space<vmem>> -> memref<1x256x128xf32, #tpu.memory_space<vmem>>
    %dma_start3A_24 = tpu.memref_squeeze %dma_start3A_23 : memref<1x256x128xf32, #tpu.memory_space<vmem>> -> memref<256x128xf32, #tpu.memory_space<vmem>>
    %dma_start3A_25 = arith.constant 128 : i32
    %dma_start3A_26 = arith.constant 0 : i32
    %dma_start3A_27 = tpu.memref_slice %dma_start3A_24[%dma_start3A_25, %dma_start3A_26] : memref<256x128xf32, #tpu.memory_space<vmem>> -> memref<128x128xf32, #tpu.memory_space<vmem>>
    %dma_start3A_28 = arith.constant 0 : i32
    %dma_start3A_29 = tpu.memref_slice %arg5[%dma_start3A_19, %dma_start3A_28] : memref<100x128xi32, #tpu.memory_space<vmem>> -> memref<1x128xi32, #tpu.memory_space<vmem>>
    %dma_start3A_30 = tpu.memref_squeeze %dma_start3A_29 : memref<1x128xi32, #tpu.memory_space<vmem>> -> memref<128xi32, #tpu.memory_space<vmem>>
    %dma_start3A_31 = arith.constant 0 : i32
    %dma_start3A_32 = arith.constant 0 : i32
    %dma_start3A_33 = tpu.memref_slice %arg3[%dma_start3A_31, %dma_start3A_32] : memref<1000000x128xf32, #tpu.memory_space<hbm>> -> memref<1000000x128xf32, #tpu.memory_space<hbm>>
    tpu.enqueue_indirect_dma source(%dma_start3A_33 : memref<1000000x128xf32, #tpu.memory_space<hbm>>) target(%dma_start3A_27 : memref<128x128xf32, #tpu.memory_space<vmem>>) offsets(%dma_start3A_30 : memref<128xi32, #tpu.memory_space<vmem>>) semaphore(%arg7 : memref<!tpu.dma_semaphore, #tpu.memory_space<semaphore_mem>>)
    %dma_start3A_34 = arith.constant 2 : i32
    %dma_start3A_35 = arith.constant 1 : i32
    %dma_start3A_36 = arith.constant 0 : i32
    %dma_start3A_37 = arith.constant 0 : i32
    %dma_start3A_38 = tpu.memref_slice %arg6[%dma_start3A_35, %dma_start3A_36, %dma_start3A_37] : memref<2x256x128xf32, #tpu.memory_space<vmem>> -> memref<1x256x128xf32, #tpu.memory_space<vmem>>
    %dma_start3A_39 = tpu.memref_squeeze %dma_start3A_38 : memref<1x256x128xf32, #tpu.memory_space<vmem>> -> memref<256x128xf32, #tpu.memory_space<vmem>>
    %dma_start3A_40 = arith.constant 0 : i32
    %dma_start3A_41 = arith.constant 0 : i32
    %dma_start3A_42 = tpu.memref_slice %dma_start3A_39[%dma_start3A_40, %dma_start3A_41] : memref<256x128xf32, #tpu.memory_space<vmem>> -> memref<128x128xf32, #tpu.memory_space<vmem>>
    %dma_start3A_43 = arith.constant 0 : i32
    %dma_start3A_44 = tpu.memref_slice %arg5[%dma_start3A_34, %dma_start3A_43] : memref<100x128xi32, #tpu.memory_space<vmem>> -> memref<1x128xi32, #tpu.memory_space<vmem>>
    %dma_start3A_45 = tpu.memref_squeeze %dma_start3A_44 : memref<1x128xi32, #tpu.memory_space<vmem>> -> memref<128xi32, #tpu.memory_space<vmem>>
    %dma_start3A_46 = arith.constant 0 : i32
    %dma_start3A_47 = arith.constant 0 : i32
    %dma_start3A_48 = tpu.memref_slice %arg3[%dma_start3A_46, %dma_start3A_47] : memref<1000000x128xf32, #tpu.memory_space<hbm>> -> memref<1000000x128xf32, #tpu.memory_space<hbm>>
    tpu.enqueue_indirect_dma source(%dma_start3A_48 : memref<1000000x128xf32, #tpu.memory_space<hbm>>) target(%dma_start3A_42 : memref<128x128xf32, #tpu.memory_space<vmem>>) offsets(%dma_start3A_45 : memref<128xi32, #tpu.memory_space<vmem>>) semaphore(%arg8 : memref<!tpu.dma_semaphore, #tpu.memory_space<semaphore_mem>>)
    %dma_start3A_49 = arith.constant 3 : i32
    %dma_start3A_50 = arith.constant 1 : i32
    %dma_start3A_51 = arith.constant 0 : i32
    %dma_start3A_52 = arith.constant 0 : i32
    %dma_start3A_53 = tpu.memref_slice %arg6[%dma_start3A_50, %dma_start3A_51, %dma_start3A_52] : memref<2x256x128xf32, #tpu.memory_space<vmem>> -> memref<1x256x128xf32, #tpu.memory_space<vmem>>
    %dma_start3A_54 = tpu.memref_squeeze %dma_start3A_53 : memref<1x256x128xf32, #tpu.memory_space<vmem>> -> memref<256x128xf32, #tpu.memory_space<vmem>>
    %dma_start3A_55 = arith.constant 128 : i32
    %dma_start3A_56 = arith.constant 0 : i32
    %dma_start3A_57 = tpu.memref_slice %dma_start3A_54[%dma_start3A_55, %dma_start3A_56] : memref<256x128xf32, #tpu.memory_space<vmem>> -> memref<128x128xf32, #tpu.memory_space<vmem>>
    %dma_start3A_58 = arith.constant 0 : i32
    %dma_start3A_59 = tpu.memref_slice %arg5[%dma_start3A_49, %dma_start3A_58] : memref<100x128xi32, #tpu.memory_space<vmem>> -> memref<1x128xi32, #tpu.memory_space<vmem>>
    %dma_start3A_60 = tpu.memref_squeeze %dma_start3A_59 : memref<1x128xi32, #tpu.memory_space<vmem>> -> memref<128xi32, #tpu.memory_space<vmem>>
    %dma_start3A_61 = arith.constant 0 : i32
    %dma_start3A_62 = arith.constant 0 : i32
    %dma_start3A_63 = tpu.memref_slice %arg3[%dma_start3A_61, %dma_start3A_62] : memref<1000000x128xf32, #tpu.memory_space<hbm>> -> memref<1000000x128xf32, #tpu.memory_space<hbm>>
    tpu.enqueue_indirect_dma source(%dma_start3A_63 : memref<1000000x128xf32, #tpu.memory_space<hbm>>) target(%dma_start3A_57 : memref<128x128xf32, #tpu.memory_space<vmem>>) offsets(%dma_start3A_60 : memref<128xi32, #tpu.memory_space<vmem>>) semaphore(%arg8 : memref<!tpu.dma_semaphore, #tpu.memory_space<semaphore_mem>>)
    %scan3A = arith.constant 0 : i32
    %scan3A_64 = arith.constant 25 : i32
    %scan3A_65 = arith.addi %scan3A, %scan3A_64 : i32
    %scan3A_66 = arith.constant 1 : i32
    scf.for %scan3A_68 = %scan3A to %scan3A_65 step %scan3A_66  : i32 {
      %mul3A_69 = arith.constant 2 : i32
      %mul3A_70 = arith.muli %scan3A_68, %mul3A_69 : i32
      %add3A_71 = arith.constant 0 : i32
      %add3A_72 = arith.addi %add3A_71, %mul3A_70 : i32
      %add3A_73 = arith.constant 0 : i32
      %add3A_74 = arith.addi %add3A_72, %add3A_73 : i32
      %mul3A_75 = arith.constant 2 : i32
      %mul3A_76 = arith.muli %add3A_74, %mul3A_75 : i32
      %add3A_77 = arith.constant 0 : i32
      %add3A_78 = arith.addi %mul3A_76, %add3A_77 : i32
      %dma_wait3A = arith.constant 0 : i32
      %dma_wait3A_79 = arith.constant 0 : i32
      %dma_wait3A_80 = arith.constant 0 : i32
      %dma_wait3A_81 = tpu.memref_slice %arg6[%dma_wait3A, %dma_wait3A_79, %dma_wait3A_80] : memref<2x256x128xf32, #tpu.memory_space<vmem>> -> memref<1x256x128xf32, #tpu.memory_space<vmem>>
      %dma_wait3A_82 = tpu.memref_squeeze %dma_wait3A_81 : memref<1x256x128xf32, #tpu.memory_space<vmem>> -> memref<256x128xf32, #tpu.memory_space<vmem>>
      %dma_wait3A_83 = arith.constant 0 : i32
      %dma_wait3A_84 = arith.constant 0 : i32
      %dma_wait3A_85 = tpu.memref_slice %dma_wait3A_82[%dma_wait3A_83, %dma_wait3A_84] : memref<256x128xf32, #tpu.memory_space<vmem>> -> memref<128x128xf32, #tpu.memory_space<vmem>>
      %dma_wait3A_86 = arith.constant 0 : i32
      %dma_wait3A_87 = tpu.memref_slice %arg5[%add3A_78, %dma_wait3A_86] : memref<100x128xi32, #tpu.memory_space<vmem>> -> memref<1x128xi32, #tpu.memory_space<vmem>>
      %dma_wait3A_88 = tpu.memref_squeeze %dma_wait3A_87 : memref<1x128xi32, #tpu.memory_space<vmem>> -> memref<128xi32, #tpu.memory_space<vmem>>
      %dma_wait3A_89 = arith.constant 0 : i32
      %dma_wait3A_90 = arith.constant 0 : i32
      %dma_wait3A_91 = tpu.memref_slice %arg3[%dma_wait3A_89, %dma_wait3A_90] : memref<1000000x128xf32, #tpu.memory_space<hbm>> -> memref<1000000x128xf32, #tpu.memory_space<hbm>>
      tpu.wait_indirect_dma semaphore(%arg7 : memref<!tpu.dma_semaphore, #tpu.memory_space<semaphore_mem>>) src(%dma_wait3A_91 : memref<1000000x128xf32, #tpu.memory_space<hbm>>) dst(%dma_wait3A_85 : memref<128x128xf32, #tpu.memory_space<vmem>>)
      %mul3A_92 = arith.constant 2 : i32
      %mul3A_93 = arith.muli %add3A_74, %mul3A_92 : i32
      %add3A_94 = arith.constant 1 : i32
      %add3A_95 = arith.addi %mul3A_93, %add3A_94 : i32
      %dma_wait3A_96 = arith.constant 0 : i32
      %dma_wait3A_97 = arith.constant 0 : i32
      %dma_wait3A_98 = arith.constant 0 : i32
      %dma_wait3A_99 = tpu.memref_slice %arg6[%dma_wait3A_96, %dma_wait3A_97, %dma_wait3A_98] : memref<2x256x128xf32, #tpu.memory_space<vmem>> -> memref<1x256x128xf32, #tpu.memory_space<vmem>>
      %dma_wait3A_100 = tpu.memref_squeeze %dma_wait3A_99 : memref<1x256x128xf32, #tpu.memory_space<vmem>> -> memref<256x128xf32, #tpu.memory_space<vmem>>
      %dma_wait3A_101 = arith.constant 128 : i32
      %dma_wait3A_102 = arith.constant 0 : i32
      %dma_wait3A_103 = tpu.memref_slice %dma_wait3A_100[%dma_wait3A_101, %dma_wait3A_102] : memref<256x128xf32, #tpu.memory_space<vmem>> -> memref<128x128xf32, #tpu.memory_space<vmem>>
      %dma_wait3A_104 = arith.constant 0 : i32
      %dma_wait3A_105 = tpu.memref_slice %arg5[%add3A_95, %dma_wait3A_104] : memref<100x128xi32, #tpu.memory_space<vmem>> -> memref<1x128xi32, #tpu.memory_space<vmem>>
      %dma_wait3A_106 = tpu.memref_squeeze %dma_wait3A_105 : memref<1x128xi32, #tpu.memory_space<vmem>> -> memref<128xi32, #tpu.memory_space<vmem>>
      %dma_wait3A_107 = arith.constant 0 : i32
      %dma_wait3A_108 = arith.constant 0 : i32
      %dma_wait3A_109 = tpu.memref_slice %arg3[%dma_wait3A_107, %dma_wait3A_108] : memref<1000000x128xf32, #tpu.memory_space<hbm>> -> memref<1000000x128xf32, #tpu.memory_space<hbm>>
      tpu.wait_indirect_dma semaphore(%arg7 : memref<!tpu.dma_semaphore, #tpu.memory_space<semaphore_mem>>) src(%dma_wait3A_109 : memref<1000000x128xf32, #tpu.memory_space<hbm>>) dst(%dma_wait3A_103 : memref<128x128xf32, #tpu.memory_space<vmem>>)
      %mul3A_110 = arith.constant 256 : i32
      %mul3A_111 = arith.muli %add3A_74, %mul3A_110 : i32
      %add3A_112 = arith.addi %mul3A_4, %mul3A_111 : i32
      %run_scoped3A = arith.constant 0 : i32
      "tpu.region"() ({
        %run_scoped3A_166 = tpu.sem_alloc : memref<!tpu.dma_semaphore, #tpu.memory_space<semaphore_mem>>
        %dma_start3A_167 = arith.constant 0 : i32
        %dma_start3A_168 = arith.constant 0 : i32
        %dma_start3A_169 = tpu.memref_slice %arg6[%run_scoped3A, %dma_start3A_167, %dma_start3A_168] : memref<2x256x128xf32, #tpu.memory_space<vmem>> -> memref<1x256x128xf32, #tpu.memory_space<vmem>>
        %dma_start3A_170 = tpu.memref_squeeze %dma_start3A_169 : memref<1x256x128xf32, #tpu.memory_space<vmem>> -> memref<256x128xf32, #tpu.memory_space<vmem>>
        %dma_start3A_171 = arith.constant 0 : i32
        %dma_start3A_172 = arith.constant 0 : i32
        %dma_start3A_173 = tpu.memref_slice %dma_start3A_170[%dma_start3A_171, %dma_start3A_172] : memref<256x128xf32, #tpu.memory_space<vmem>> -> memref<256x64xf32, #tpu.memory_space<vmem>>
        %dma_start3A_174 = arith.constant 0 : i32
        %dma_start3A_175 = tpu.memref_slice %arg4[%add3A_112, %dma_start3A_174] : memref<409600x128xf32, #tpu.memory_space<hbm>> -> memref<256x64xf32, #tpu.memory_space<hbm>>
        %dma_start3A_176 = arith.constant 0 : i32
        %dma_start3A_177 = tpu.memref_slice %arg4[%add3A_112, %dma_start3A_176] : memref<409600x128xf32, #tpu.memory_space<hbm>> -> memref<256x64xf32, #tpu.memory_space<hbm>>
        %dma_start3A_178 = arith.constant 0 : i32
        %dma_start3A_179 = arith.constant 0 : i32
        %dma_start3A_180 = tpu.memref_slice %arg6[%run_scoped3A, %dma_start3A_178, %dma_start3A_179] : memref<2x256x128xf32, #tpu.memory_space<vmem>> -> memref<1x256x128xf32, #tpu.memory_space<vmem>>
        %dma_start3A_181 = tpu.memref_squeeze %dma_start3A_180 : memref<1x256x128xf32, #tpu.memory_space<vmem>> -> memref<256x128xf32, #tpu.memory_space<vmem>>
        %dma_start3A_182 = arith.constant 0 : i32
        %dma_start3A_183 = arith.constant 0 : i32
        %dma_start3A_184 = tpu.memref_slice %dma_start3A_181[%dma_start3A_182, %dma_start3A_183] : memref<256x128xf32, #tpu.memory_space<vmem>> -> memref<256x64xf32, #tpu.memory_space<vmem>>
        tpu.enqueue_dma source(%dma_start3A_184 : memref<256x64xf32, #tpu.memory_space<vmem>>) target(%dma_start3A_177 : memref<256x64xf32, #tpu.memory_space<hbm>>) target_semaphore(%run_scoped3A_166 : memref<!tpu.dma_semaphore, #tpu.memory_space<semaphore_mem>>)
        %dma_wait3A_185 = arith.constant 0 : i32
        %dma_wait3A_186 = arith.constant 0 : i32
        %dma_wait3A_187 = tpu.memref_slice %arg6[%run_scoped3A, %dma_wait3A_185, %dma_wait3A_186] : memref<2x256x128xf32, #tpu.memory_space<vmem>> -> memref<1x256x128xf32, #tpu.memory_space<vmem>>
        %dma_wait3A_188 = tpu.memref_squeeze %dma_wait3A_187 : memref<1x256x128xf32, #tpu.memory_space<vmem>> -> memref<256x128xf32, #tpu.memory_space<vmem>>
        %dma_wait3A_189 = arith.constant 0 : i32
        %dma_wait3A_190 = arith.constant 0 : i32
        %dma_wait3A_191 = tpu.memref_slice %dma_wait3A_188[%dma_wait3A_189, %dma_wait3A_190] : memref<256x128xf32, #tpu.memory_space<vmem>> -> memref<256x64xf32, #tpu.memory_space<vmem>>
        %dma_wait3A_192 = arith.constant 0 : i32
        %dma_wait3A_193 = tpu.memref_slice %arg4[%add3A_112, %dma_wait3A_192] : memref<409600x128xf32, #tpu.memory_space<hbm>> -> memref<256x64xf32, #tpu.memory_space<hbm>>
        %dma_wait3A_194 = arith.constant 0 : i32
        %dma_wait3A_195 = tpu.memref_slice %arg4[%add3A_112, %dma_wait3A_194] : memref<409600x128xf32, #tpu.memory_space<hbm>> -> memref<256x64xf32, #tpu.memory_space<hbm>>
        %dma_wait3A_196 = arith.constant 0 : i32
        %dma_wait3A_197 = arith.constant 0 : i32
        %dma_wait3A_198 = tpu.memref_slice %arg6[%run_scoped3A, %dma_wait3A_196, %dma_wait3A_197] : memref<2x256x128xf32, #tpu.memory_space<vmem>> -> memref<1x256x128xf32, #tpu.memory_space<vmem>>
        %dma_wait3A_199 = tpu.memref_squeeze %dma_wait3A_198 : memref<1x256x128xf32, #tpu.memory_space<vmem>> -> memref<256x128xf32, #tpu.memory_space<vmem>>
        %dma_wait3A_200 = arith.constant 0 : i32
        %dma_wait3A_201 = arith.constant 0 : i32
        %dma_wait3A_202 = tpu.memref_slice %dma_wait3A_199[%dma_wait3A_200, %dma_wait3A_201] : memref<256x128xf32, #tpu.memory_space<vmem>> -> memref<256x64xf32, #tpu.memory_space<vmem>>
        tpu.wait_dma2 semaphore(%run_scoped3A_166 : memref<!tpu.dma_semaphore, #tpu.memory_space<semaphore_mem>>) src(%dma_wait3A_202 : memref<256x64xf32, #tpu.memory_space<vmem>>) dst(%dma_wait3A_195 : memref<256x64xf32, #tpu.memory_space<hbm>>)
        tpu.yield
      }) : () -> ()
      %add3A_113 = arith.constant 2 : i32
      %add3A_114 = arith.addi %add3A_74, %add3A_113 : i32
      %lt3A = arith.constant 50 : i32
      %lt3A_115 = arith.cmpi slt, %add3A_114, %lt3A : i32
      %convert_element_type3A = arith.extui %lt3A_115 : i1 to i32
      %cond3A = arith.constant 0 : i32
      %cond3A_116 = arith.cmpi ne, %convert_element_type3A, %cond3A : i32
      scf.if %cond3A_116 {
        %mul3A_166 = arith.constant 2 : i32
        %mul3A_167 = arith.muli %add3A_114, %mul3A_166 : i32
        %add3A_168 = arith.constant 0 : i32
        %add3A_169 = arith.addi %mul3A_167, %add3A_168 : i32
        %dma_start3A_170 = arith.constant 0 : i32
        %dma_start3A_171 = arith.constant 0 : i32
        %dma_start3A_172 = arith.constant 0 : i32
        %dma_start3A_173 = tpu.memref_slice %arg6[%dma_start3A_170, %dma_start3A_171, %dma_start3A_172] : memref<2x256x128xf32, #tpu.memory_space<vmem>> -> memref<1x256x128xf32, #tpu.memory_space<vmem>>
        %dma_start3A_174 = tpu.memref_squeeze %dma_start3A_173 : memref<1x256x128xf32, #tpu.memory_space<vmem>> -> memref<256x128xf32, #tpu.memory_space<vmem>>
        %dma_start3A_175 = arith.constant 0 : i32
        %dma_start3A_176 = arith.constant 0 : i32
        %dma_start3A_177 = tpu.memref_slice %dma_start3A_174[%dma_start3A_175, %dma_start3A_176] : memref<256x128xf32, #tpu.memory_space<vmem>> -> memref<128x128xf32, #tpu.memory_space<vmem>>
        %dma_start3A_178 = arith.constant 0 : i32
        %dma_start3A_179 = tpu.memref_slice %arg5[%add3A_169, %dma_start3A_178] : memref<100x128xi32, #tpu.memory_space<vmem>> -> memref<1x128xi32, #tpu.memory_space<vmem>>
        %dma_start3A_180 = tpu.memref_squeeze %dma_start3A_179 : memref<1x128xi32, #tpu.memory_space<vmem>> -> memref<128xi32, #tpu.memory_space<vmem>>
        %dma_start3A_181 = arith.constant 0 : i32
        %dma_start3A_182 = arith.constant 0 : i32
        %dma_start3A_183 = tpu.memref_slice %arg3[%dma_start3A_181, %dma_start3A_182] : memref<1000000x128xf32, #tpu.memory_space<hbm>> -> memref<1000000x128xf32, #tpu.memory_space<hbm>>
        tpu.enqueue_indirect_dma source(%dma_start3A_183 : memref<1000000x128xf32, #tpu.memory_space<hbm>>) target(%dma_start3A_177 : memref<128x128xf32, #tpu.memory_space<vmem>>) offsets(%dma_start3A_180 : memref<128xi32, #tpu.memory_space<vmem>>) semaphore(%arg7 : memref<!tpu.dma_semaphore, #tpu.memory_space<semaphore_mem>>)
        %mul3A_184 = arith.constant 2 : i32
        %mul3A_185 = arith.muli %add3A_114, %mul3A_184 : i32
        %add3A_186 = arith.constant 1 : i32
        %add3A_187 = arith.addi %mul3A_185, %add3A_186 : i32
        %dma_start3A_188 = arith.constant 0 : i32
        %dma_start3A_189 = arith.constant 0 : i32
        %dma_start3A_190 = arith.constant 0 : i32
        %dma_start3A_191 = tpu.memref_slice %arg6[%dma_start3A_188, %dma_start3A_189, %dma_start3A_190] : memref<2x256x128xf32, #tpu.memory_space<vmem>> -> memref<1x256x128xf32, #tpu.memory_space<vmem>>
        %dma_start3A_192 = tpu.memref_squeeze %dma_start3A_191 : memref<1x256x128xf32, #tpu.memory_space<vmem>> -> memref<256x128xf32, #tpu.memory_space<vmem>>
        %dma_start3A_193 = arith.constant 128 : i32
        %dma_start3A_194 = arith.constant 0 : i32
        %dma_start3A_195 = tpu.memref_slice %dma_start3A_192[%dma_start3A_193, %dma_start3A_194] : memref<256x128xf32, #tpu.memory_space<vmem>> -> memref<128x128xf32, #tpu.memory_space<vmem>>
        %dma_start3A_196 = arith.constant 0 : i32
        %dma_start3A_197 = tpu.memref_slice %arg5[%add3A_187, %dma_start3A_196] : memref<100x128xi32, #tpu.memory_space<vmem>> -> memref<1x128xi32, #tpu.memory_space<vmem>>
        %dma_start3A_198 = tpu.memref_squeeze %dma_start3A_197 : memref<1x128xi32, #tpu.memory_space<vmem>> -> memref<128xi32, #tpu.memory_space<vmem>>
        %dma_start3A_199 = arith.constant 0 : i32
        %dma_start3A_200 = arith.constant 0 : i32
        %dma_start3A_201 = tpu.memref_slice %arg3[%dma_start3A_199, %dma_start3A_200] : memref<1000000x128xf32, #tpu.memory_space<hbm>> -> memref<1000000x128xf32, #tpu.memory_space<hbm>>
        tpu.enqueue_indirect_dma source(%dma_start3A_201 : memref<1000000x128xf32, #tpu.memory_space<hbm>>) target(%dma_start3A_195 : memref<128x128xf32, #tpu.memory_space<vmem>>) offsets(%dma_start3A_198 : memref<128xi32, #tpu.memory_space<vmem>>) semaphore(%arg7 : memref<!tpu.dma_semaphore, #tpu.memory_space<semaphore_mem>>)
      } else {
      }
      %add3A_117 = arith.constant 1 : i32
      %add3A_118 = arith.addi %add3A_72, %add3A_117 : i32
      %mul3A_119 = arith.constant 2 : i32
      %mul3A_120 = arith.muli %add3A_118, %mul3A_119 : i32
      %add3A_121 = arith.constant 0 : i32
      %add3A_122 = arith.addi %mul3A_120, %add3A_121 : i32
      %dma_wait3A_123 = arith.constant 1 : i32
      %dma_wait3A_124 = arith.constant 0 : i32
      %dma_wait3A_125 = arith.constant 0 : i32
      %dma_wait3A_126 = tpu.memref_slice %arg6[%dma_wait3A_123, %dma_wait3A_124, %dma_wait3A_125] : memref<2x256x128xf32, #tpu.memory_space<vmem>> -> memref<1x256x128xf32, #tpu.memory_space<vmem>>
      %dma_wait3A_127 = tpu.memref_squeeze %dma_wait3A_126 : memref<1x256x128xf32, #tpu.memory_space<vmem>> -> memref<256x128xf32, #tpu.memory_space<vmem>>
      %dma_wait3A_128 = arith.constant 0 : i32
      %dma_wait3A_129 = arith.constant 0 : i32
      %dma_wait3A_130 = tpu.memref_slice %dma_wait3A_127[%dma_wait3A_128, %dma_wait3A_129] : memref<256x128xf32, #tpu.memory_space<vmem>> -> memref<128x128xf32, #tpu.memory_space<vmem>>
      %dma_wait3A_131 = arith.constant 0 : i32
      %dma_wait3A_132 = tpu.memref_slice %arg5[%add3A_122, %dma_wait3A_131] : memref<100x128xi32, #tpu.memory_space<vmem>> -> memref<1x128xi32, #tpu.memory_space<vmem>>
      %dma_wait3A_133 = tpu.memref_squeeze %dma_wait3A_132 : memref<1x128xi32, #tpu.memory_space<vmem>> -> memref<128xi32, #tpu.memory_space<vmem>>
      %dma_wait3A_134 = arith.constant 0 : i32
      %dma_wait3A_135 = arith.constant 0 : i32
      %dma_wait3A_136 = tpu.memref_slice %arg3[%dma_wait3A_134, %dma_wait3A_135] : memref<1000000x128xf32, #tpu.memory_space<hbm>> -> memref<1000000x128xf32, #tpu.memory_space<hbm>>
      tpu.wait_indirect_dma semaphore(%arg8 : memref<!tpu.dma_semaphore, #tpu.memory_space<semaphore_mem>>) src(%dma_wait3A_136 : memref<1000000x128xf32, #tpu.memory_space<hbm>>) dst(%dma_wait3A_130 : memref<128x128xf32, #tpu.memory_space<vmem>>)
      %mul3A_137 = arith.constant 2 : i32
      %mul3A_138 = arith.muli %add3A_118, %mul3A_137 : i32
      %add3A_139 = arith.constant 1 : i32
      %add3A_140 = arith.addi %mul3A_138, %add3A_139 : i32
      %dma_wait3A_141 = arith.constant 1 : i32
      %dma_wait3A_142 = arith.constant 0 : i32
      %dma_wait3A_143 = arith.constant 0 : i32
      %dma_wait3A_144 = tpu.memref_slice %arg6[%dma_wait3A_141, %dma_wait3A_142, %dma_wait3A_143] : memref<2x256x128xf32, #tpu.memory_space<vmem>> -> memref<1x256x128xf32, #tpu.memory_space<vmem>>
      %dma_wait3A_145 = tpu.memref_squeeze %dma_wait3A_144 : memref<1x256x128xf32, #tpu.memory_space<vmem>> -> memref<256x128xf32, #tpu.memory_space<vmem>>
      %dma_wait3A_146 = arith.constant 128 : i32
      %dma_wait3A_147 = arith.constant 0 : i32
      %dma_wait3A_148 = tpu.memref_slice %dma_wait3A_145[%dma_wait3A_146, %dma_wait3A_147] : memref<256x128xf32, #tpu.memory_space<vmem>> -> memref<128x128xf32, #tpu.memory_space<vmem>>
      %dma_wait3A_149 = arith.constant 0 : i32
      %dma_wait3A_150 = tpu.memref_slice %arg5[%add3A_140, %dma_wait3A_149] : memref<100x128xi32, #tpu.memory_space<vmem>> -> memref<1x128xi32, #tpu.memory_space<vmem>>
      %dma_wait3A_151 = tpu.memref_squeeze %dma_wait3A_150 : memref<1x128xi32, #tpu.memory_space<vmem>> -> memref<128xi32, #tpu.memory_space<vmem>>
      %dma_wait3A_152 = arith.constant 0 : i32
      %dma_wait3A_153 = arith.constant 0 : i32
      %dma_wait3A_154 = tpu.memref_slice %arg3[%dma_wait3A_152, %dma_wait3A_153] : memref<1000000x128xf32, #tpu.memory_space<hbm>> -> memref<1000000x128xf32, #tpu.memory_space<hbm>>
      tpu.wait_indirect_dma semaphore(%arg8 : memref<!tpu.dma_semaphore, #tpu.memory_space<semaphore_mem>>) src(%dma_wait3A_154 : memref<1000000x128xf32, #tpu.memory_space<hbm>>) dst(%dma_wait3A_148 : memref<128x128xf32, #tpu.memory_space<vmem>>)
      %mul3A_155 = arith.constant 256 : i32
      %mul3A_156 = arith.muli %add3A_118, %mul3A_155 : i32
      %add3A_157 = arith.addi %mul3A_4, %mul3A_156 : i32
      %run_scoped3A_158 = arith.constant 1 : i32
      "tpu.region"() ({
        %run_scoped3A_166 = tpu.sem_alloc : memref<!tpu.dma_semaphore, #tpu.memory_space<semaphore_mem>>
        %dma_start3A_167 = arith.constant 0 : i32
        %dma_start3A_168 = arith.constant 0 : i32
        %dma_start3A_169 = tpu.memref_slice %arg6[%run_scoped3A_158, %dma_start3A_167, %dma_start3A_168] : memref<2x256x128xf32, #tpu.memory_space<vmem>> -> memref<1x256x128xf32, #tpu.memory_space<vmem>>
        %dma_start3A_170 = tpu.memref_squeeze %dma_start3A_169 : memref<1x256x128xf32, #tpu.memory_space<vmem>> -> memref<256x128xf32, #tpu.memory_space<vmem>>
        %dma_start3A_171 = arith.constant 0 : i32
        %dma_start3A_172 = arith.constant 0 : i32
        %dma_start3A_173 = tpu.memref_slice %dma_start3A_170[%dma_start3A_171, %dma_start3A_172] : memref<256x128xf32, #tpu.memory_space<vmem>> -> memref<256x64xf32, #tpu.memory_space<vmem>>
        %dma_start3A_174 = arith.constant 0 : i32
        %dma_start3A_175 = tpu.memref_slice %arg4[%add3A_157, %dma_start3A_174] : memref<409600x128xf32, #tpu.memory_space<hbm>> -> memref<256x64xf32, #tpu.memory_space<hbm>>
        %dma_start3A_176 = arith.constant 0 : i32
        %dma_start3A_177 = tpu.memref_slice %arg4[%add3A_157, %dma_start3A_176] : memref<409600x128xf32, #tpu.memory_space<hbm>> -> memref<256x64xf32, #tpu.memory_space<hbm>>
        %dma_start3A_178 = arith.constant 0 : i32
        %dma_start3A_179 = arith.constant 0 : i32
        %dma_start3A_180 = tpu.memref_slice %arg6[%run_scoped3A_158, %dma_start3A_178, %dma_start3A_179] : memref<2x256x128xf32, #tpu.memory_space<vmem>> -> memref<1x256x128xf32, #tpu.memory_space<vmem>>
        %dma_start3A_181 = tpu.memref_squeeze %dma_start3A_180 : memref<1x256x128xf32, #tpu.memory_space<vmem>> -> memref<256x128xf32, #tpu.memory_space<vmem>>
        %dma_start3A_182 = arith.constant 0 : i32
        %dma_start3A_183 = arith.constant 0 : i32
        %dma_start3A_184 = tpu.memref_slice %dma_start3A_181[%dma_start3A_182, %dma_start3A_183] : memref<256x128xf32, #tpu.memory_space<vmem>> -> memref<256x64xf32, #tpu.memory_space<vmem>>
        tpu.enqueue_dma source(%dma_start3A_184 : memref<256x64xf32, #tpu.memory_space<vmem>>) target(%dma_start3A_177 : memref<256x64xf32, #tpu.memory_space<hbm>>) target_semaphore(%run_scoped3A_166 : memref<!tpu.dma_semaphore, #tpu.memory_space<semaphore_mem>>)
        %dma_wait3A_185 = arith.constant 0 : i32
        %dma_wait3A_186 = arith.constant 0 : i32
        %dma_wait3A_187 = tpu.memref_slice %arg6[%run_scoped3A_158, %dma_wait3A_185, %dma_wait3A_186] : memref<2x256x128xf32, #tpu.memory_space<vmem>> -> memref<1x256x128xf32, #tpu.memory_space<vmem>>
        %dma_wait3A_188 = tpu.memref_squeeze %dma_wait3A_187 : memref<1x256x128xf32, #tpu.memory_space<vmem>> -> memref<256x128xf32, #tpu.memory_space<vmem>>
        %dma_wait3A_189 = arith.constant 0 : i32
        %dma_wait3A_190 = arith.constant 0 : i32
        %dma_wait3A_191 = tpu.memref_slice %dma_wait3A_188[%dma_wait3A_189, %dma_wait3A_190] : memref<256x128xf32, #tpu.memory_space<vmem>> -> memref<256x64xf32, #tpu.memory_space<vmem>>
        %dma_wait3A_192 = arith.constant 0 : i32
        %dma_wait3A_193 = tpu.memref_slice %arg4[%add3A_157, %dma_wait3A_192] : memref<409600x128xf32, #tpu.memory_space<hbm>> -> memref<256x64xf32, #tpu.memory_space<hbm>>
        %dma_wait3A_194 = arith.constant 0 : i32
        %dma_wait3A_195 = tpu.memref_slice %arg4[%add3A_157, %dma_wait3A_194] : memref<409600x128xf32, #tpu.memory_space<hbm>> -> memref<256x64xf32, #tpu.memory_space<hbm>>
        %dma_wait3A_196 = arith.constant 0 : i32
        %dma_wait3A_197 = arith.constant 0 : i32
        %dma_wait3A_198 = tpu.memref_slice %arg6[%run_scoped3A_158, %dma_wait3A_196, %dma_wait3A_197] : memref<2x256x128xf32, #tpu.memory_space<vmem>> -> memref<1x256x128xf32, #tpu.memory_space<vmem>>
        %dma_wait3A_199 = tpu.memref_squeeze %dma_wait3A_198 : memref<1x256x128xf32, #tpu.memory_space<vmem>> -> memref<256x128xf32, #tpu.memory_space<vmem>>
        %dma_wait3A_200 = arith.constant 0 : i32
        %dma_wait3A_201 = arith.constant 0 : i32
        %dma_wait3A_202 = tpu.memref_slice %dma_wait3A_199[%dma_wait3A_200, %dma_wait3A_201] : memref<256x128xf32, #tpu.memory_space<vmem>> -> memref<256x64xf32, #tpu.memory_space<vmem>>
        tpu.wait_dma2 semaphore(%run_scoped3A_166 : memref<!tpu.dma_semaphore, #tpu.memory_space<semaphore_mem>>) src(%dma_wait3A_202 : memref<256x64xf32, #tpu.memory_space<vmem>>) dst(%dma_wait3A_195 : memref<256x64xf32, #tpu.memory_space<hbm>>)
        tpu.yield
      }) : () -> ()
      %add3A_159 = arith.constant 2 : i32
      %add3A_160 = arith.addi %add3A_118, %add3A_159 : i32
      %lt3A_161 = arith.constant 50 : i32
      %lt3A_162 = arith.cmpi slt, %add3A_160, %lt3A_161 : i32
      %convert_element_type3A_163 = arith.extui %lt3A_162 : i1 to i32
      %cond3A_164 = arith.constant 0 : i32
      %cond3A_165 = arith.cmpi ne, %convert_element_type3A_163, %cond3A_164 : i32
      scf.if %cond3A_165 {
        %mul3A_166 = arith.constant 2 : i32
        %mul3A_167 = arith.muli %add3A_160, %mul3A_166 : i32
        %add3A_168 = arith.constant 0 : i32
        %add3A_169 = arith.addi %mul3A_167, %add3A_168 : i32
        %dma_start3A_170 = arith.constant 1 : i32
        %dma_start3A_171 = arith.constant 0 : i32
        %dma_start3A_172 = arith.constant 0 : i32
        %dma_start3A_173 = tpu.memref_slice %arg6[%dma_start3A_170, %dma_start3A_171, %dma_start3A_172] : memref<2x256x128xf32, #tpu.memory_space<vmem>> -> memref<1x256x128xf32, #tpu.memory_space<vmem>>
        %dma_start3A_174 = tpu.memref_squeeze %dma_start3A_173 : memref<1x256x128xf32, #tpu.memory_space<vmem>> -> memref<256x128xf32, #tpu.memory_space<vmem>>
        %dma_start3A_175 = arith.constant 0 : i32
        %dma_start3A_176 = arith.constant 0 : i32
        %dma_start3A_177 = tpu.memref_slice %dma_start3A_174[%dma_start3A_175, %dma_start3A_176] : memref<256x128xf32, #tpu.memory_space<vmem>> -> memref<128x128xf32, #tpu.memory_space<vmem>>
        %dma_start3A_178 = arith.constant 0 : i32
        %dma_start3A_179 = tpu.memref_slice %arg5[%add3A_169, %dma_start3A_178] : memref<100x128xi32, #tpu.memory_space<vmem>> -> memref<1x128xi32, #tpu.memory_space<vmem>>
        %dma_start3A_180 = tpu.memref_squeeze %dma_start3A_179 : memref<1x128xi32, #tpu.memory_space<vmem>> -> memref<128xi32, #tpu.memory_space<vmem>>
        %dma_start3A_181 = arith.constant 0 : i32
        %dma_start3A_182 = arith.constant 0 : i32
        %dma_start3A_183 = tpu.memref_slice %arg3[%dma_start3A_181, %dma_start3A_182] : memref<1000000x128xf32, #tpu.memory_space<hbm>> -> memref<1000000x128xf32, #tpu.memory_space<hbm>>
        tpu.enqueue_indirect_dma source(%dma_start3A_183 : memref<1000000x128xf32, #tpu.memory_space<hbm>>) target(%dma_start3A_177 : memref<128x128xf32, #tpu.memory_space<vmem>>) offsets(%dma_start3A_180 : memref<128xi32, #tpu.memory_space<vmem>>) semaphore(%arg8 : memref<!tpu.dma_semaphore, #tpu.memory_space<semaphore_mem>>)
        %mul3A_184 = arith.constant 2 : i32
        %mul3A_185 = arith.muli %add3A_160, %mul3A_184 : i32
        %add3A_186 = arith.constant 1 : i32
        %add3A_187 = arith.addi %mul3A_185, %add3A_186 : i32
        %dma_start3A_188 = arith.constant 1 : i32
        %dma_start3A_189 = arith.constant 0 : i32
        %dma_start3A_190 = arith.constant 0 : i32
        %dma_start3A_191 = tpu.memref_slice %arg6[%dma_start3A_188, %dma_start3A_189, %dma_start3A_190] : memref<2x256x128xf32, #tpu.memory_space<vmem>> -> memref<1x256x128xf32, #tpu.memory_space<vmem>>
        %dma_start3A_192 = tpu.memref_squeeze %dma_start3A_191 : memref<1x256x128xf32, #tpu.memory_space<vmem>> -> memref<256x128xf32, #tpu.memory_space<vmem>>
        %dma_start3A_193 = arith.constant 128 : i32
        %dma_start3A_194 = arith.constant 0 : i32
        %dma_start3A_195 = tpu.memref_slice %dma_start3A_192[%dma_start3A_193, %dma_start3A_194] : memref<256x128xf32, #tpu.memory_space<vmem>> -> memref<128x128xf32, #tpu.memory_space<vmem>>
        %dma_start3A_196 = arith.constant 0 : i32
        %dma_start3A_197 = tpu.memref_slice %arg5[%add3A_187, %dma_start3A_196] : memref<100x128xi32, #tpu.memory_space<vmem>> -> memref<1x128xi32, #tpu.memory_space<vmem>>
        %dma_start3A_198 = tpu.memref_squeeze %dma_start3A_197 : memref<1x128xi32, #tpu.memory_space<vmem>> -> memref<128xi32, #tpu.memory_space<vmem>>
        %dma_start3A_199 = arith.constant 0 : i32
        %dma_start3A_200 = arith.constant 0 : i32
        %dma_start3A_201 = tpu.memref_slice %arg3[%dma_start3A_199, %dma_start3A_200] : memref<1000000x128xf32, #tpu.memory_space<hbm>> -> memref<1000000x128xf32, #tpu.memory_space<hbm>>
        tpu.enqueue_indirect_dma source(%dma_start3A_201 : memref<1000000x128xf32, #tpu.memory_space<hbm>>) target(%dma_start3A_195 : memref<128x128xf32, #tpu.memory_space<vmem>>) offsets(%dma_start3A_198 : memref<128xi32, #tpu.memory_space<vmem>>) semaphore(%arg8 : memref<!tpu.dma_semaphore, #tpu.memory_space<semaphore_mem>>)
      } else {
      }
    }
    %scan3A_67 = arith.constant 25 : i32
    return
  }
}

module attributes {stable_mosaic.version = 14 : i64} {
  func.func @body(%arg0: i32, %arg1: memref<64x16384xf32, #tpu.memory_space<vmem>>, %arg2: memref<16384x128xf32, #tpu.memory_space<vmem>>) attributes {dimension_semantics = [#tpu.dimension_semantics<arbitrary>], iteration_bounds = array<i64: 62>, scalar_prefetch = 0 : i64, scratch_operands = 0 : i64, tpu.core_type = #tpu.core_type<tc>, window_params = [{transform_indices = @transform_0, window_bounds = array<i64: 64, 16384>}, {transform_indices = @transform_1, window_bounds = array<i64: 16384, 128>}]} {
    %get3A = arith.constant 0 : index
    %get3A_0 = arith.constant 0 : index
    %get3A_1 = vector.load %arg1[%get3A, %get3A_0] : memref<64x16384xf32, #tpu.memory_space<vmem>>, vector<64x16384xf32>
    %transpose3A = tpu.transpose %get3A_1, [1, 0] : vector<64x16384xf32> -> vector<16384x64xf32>
    %swap3A = arith.constant 0 : index
    %swap3A_2 = arith.constant 0 : index
    %swap3A_3 = vector.load %arg2[%swap3A, %swap3A_2] : memref<16384x128xf32, #tpu.memory_space<vmem>>, vector<16384x64xf32>
    tpu.vector_store %arg2[%swap3A, %swap3A_2], %transpose3A {strides = array<i32>} : memref<16384x128xf32, #tpu.memory_space<vmem>>, vector<16384x64xf32>,
    return
  }
  func.func @transform_0(%arg0: i32) -> (i32, i32) {
    %c0_i32 = arith.constant 0 : i32
    %c0_i32_0 = arith.constant 0 : i32
    return %c0_i32, %arg0 : i32, i32
  }
  func.func @transform_1(%arg0: i32) -> (i32, i32) {
    %c0_i32 = arith.constant 0 : i32
    %c0_i32_0 = arith.constant 0 : i32
    return %arg0, %c0_i32 : i32, i32
  }
}

module attributes {stable_mosaic.version = 14 : i64} {
  func.func @body0(%arg0: i32, %arg1: i32, %arg2: memref<4096x128xf32, #tpu.memory_space<vmem>>, %arg3: memref<1x64x4096xf32, #tpu.memory_space<vmem>>) attributes {dimension_semantics = [#tpu.dimension_semantics<arbitrary>, #tpu.dimension_semantics<arbitrary>], iteration_bounds = array<i64: 25, 4>, scalar_prefetch = 0 : i64, scratch_operands = 0 : i64, tpu.core_type = #tpu.core_type<tc>, window_params = [{transform_indices = @transform_0, window_bounds = array<i64: 4096, 128>}, {transform_indices = @transform_1, window_bounds = array<i64: 1, 64, 4096>}]} {
    %get3A = arith.constant 0 : index
    %get3A_0 = arith.constant 0 : index
    %get3A_1 = vector.load %arg2[%get3A, %get3A_0] : memref<4096x128xf32, #tpu.memory_space<vmem>>, vector<4096x64xf32>
    %transpose3A = tpu.transpose %get3A_1, [1, 0] : vector<4096x64xf32> -> vector<64x4096xf32>
    %broadcast_in_dim3A = vector.shape_cast %transpose3A : vector<64x4096xf32> to vector<1x64x4096xf32>
    %swap3A = arith.constant 0 : index
    %swap3A_2 = arith.constant 0 : index
    %swap3A_3 = arith.constant 0 : index
    %swap3A_4 = vector.load %arg3[%swap3A, %swap3A_2, %swap3A_3] : memref<1x64x4096xf32, #tpu.memory_space<vmem>>, vector<1x64x4096xf32>
    tpu.vector_store %arg3[%swap3A, %swap3A_2, %swap3A_3], %broadcast_in_dim3A {strides = array<i32>} : memref<1x64x4096xf32, #tpu.memory_space<vmem>>, vector<1x64x4096xf32>,
    return
  }
  func.func @transform_0(%arg0: i32, %arg1: i32) -> (i32, i32) {
    %mul3A = arith.constant 4 : i32
    %mul3A_0 = arith.muli %arg0, %mul3A : i32
    %add3A = arith.addi %mul3A_0, %arg1 : i32
    %c0_i32 = arith.constant 0 : i32
    %c0_i32_1 = arith.constant 0 : i32
    return %add3A, %c0_i32 : i32, i32
  }
  func.func @transform_1(%arg0: i32, %arg1: i32) -> (i32, i32, i32) {
    %add3A = arith.constant 0 : i32
    %add3A_0 = arith.addi %add3A, %arg0 : i32
    %c0_i32 = arith.constant 0 : i32
    %c0_i32_1 = arith.constant 0 : i32
    return %add3A_0, %c0_i32, %arg1 : i32, i32, i32
  }
}

module attributes {stable_mosaic.version = 14 : i64} {
  func.func @body1(%arg0: i32, %arg1: i32, %arg2: memref<1x8x128xf32, #tpu.memory_space<vmem>>, %arg3: memref<4096x128xf32, #tpu.memory_space<vmem>>, %arg4: memref<1x64x4096xf32, #tpu.memory_space<vmem>>) attributes {dimension_semantics = [#tpu.dimension_semantics<arbitrary>, #tpu.dimension_semantics<arbitrary>], iteration_bounds = array<i64: 25, 4>, scalar_prefetch = 0 : i64, scratch_operands = 0 : i64, tpu.core_type = #tpu.core_type<tc>, window_params = [{transform_indices = @transform_0, window_bounds = array<i64: 1, 8, 128>}, {transform_indices = @transform_1, window_bounds = array<i64: 4096, 128>}, {transform_indices = @transform_2, window_bounds = array<i64: 1, 64, 4096>}]} {
    %get3A = arith.constant 0 : index
    %get3A_0 = arith.constant 0 : index
    %get3A_1 = vector.load %arg3[%get3A, %get3A_0] : memref<4096x128xf32, #tpu.memory_space<vmem>>, vector<4096x64xf32>
    %transpose3A = tpu.transpose %get3A_1, [1, 0] : vector<4096x64xf32> -> vector<64x4096xf32>
    %broadcast_in_dim3A = vector.shape_cast %transpose3A : vector<64x4096xf32> to vector<1x64x4096xf32>
    %swap3A = arith.constant 0 : index
    %swap3A_2 = arith.constant 0 : index
    %swap3A_3 = arith.constant 0 : index
    %swap3A_4 = vector.load %arg4[%swap3A, %swap3A_2, %swap3A_3] : memref<1x64x4096xf32, #tpu.memory_space<vmem>>, vector<1x64x4096xf32>
    tpu.vector_store %arg4[%swap3A, %swap3A_2, %swap3A_3], %broadcast_in_dim3A {strides = array<i32>} : memref<1x64x4096xf32, #tpu.memory_space<vmem>>, vector<1x64x4096xf32>,
    return
  }
  func.func @transform_0(%arg0: i32, %arg1: i32) -> (i32, i32, i32) {
    %c0_i32 = arith.constant 0 : i32
    %c0_i32_0 = arith.constant 0 : i32
    %c0_i32_1 = arith.constant 0 : i32
    %c0_i32_2 = arith.constant 0 : i32
    return %c0_i32, %c0_i32_0, %c0_i32_1 : i32, i32, i32
  }
  func.func @transform_1(%arg0: i32, %arg1: i32) -> (i32, i32) {
    %mul3A = arith.constant 4 : i32
    %mul3A_0 = arith.muli %arg0, %mul3A : i32
    %add3A = arith.addi %mul3A_0, %arg1 : i32
    %c0_i32 = arith.constant 0 : i32
    %c0_i32_1 = arith.constant 0 : i32
    return %add3A, %c0_i32 : i32, i32
  }
  func.func @transform_2(%arg0: i32, %arg1: i32) -> (i32, i32, i32) {
    %add3A = arith.constant 25 : i32
    %add3A_0 = arith.addi %add3A, %arg0 : i32
    %c0_i32 = arith.constant 0 : i32
    %c0_i32_1 = arith.constant 0 : i32
    return %add3A_0, %c0_i32, %arg1 : i32, i32, i32
  }
}

</mosaic_0001>

<sc_bundles>
// kernel: _embed.10.cloned.1.call-start
scs
__scs_entry_jumppad:
0x0: {  	(pc) =	sbr.rel $0x88, $3  }
0x1: {  	(tag) =	ssettag $0x0;
	lr =	simm.s32 $0x1  }
0x2: {  	[smem:$0x3F9F] =	sst lr;
	_ =	strace $0xD0000000  }
0x3: {  	_ = 	snop  }
0x4: {  	_ = 	snop  }
0x5: {  	_ = 	snop  }
0x6: {  	_ = 	snop  }
0x7: {  	_ = 	snop  }
__scs_overlays_trampoline_lowered:
0x8: {  	[smem:$0x3FAE] =	sst s0  }
0x9: {  	[smem:$0x3FAF] =	sst s1  }
0xa: {  	[smem:$0x3FB0] =	sst s2  }
0xb: {  	[smem:$0x3FB1] =	sst s3  }
0xc: {  	[smem:$0x3FB2] =	sst s4  }
0xd: {  	[smem:$0x3FB3] =	sst s5  }
0xe: {  	[smem:$0x3FB4] =	sst s6  }
0xf: {  	[smem:$0x3FB5] =	sst s7  }
0x10: {  	[smem:$0x3FB6] =	sst s8  }
0x11: {  	[smem:$0x3FB7] =	sst s9;
	s0 =	simm.s32 @!p0 $0x0  }
0x12: {  	s1 =	sld [smem:$0x3F9D];
	s0 =	simm.s32 @p0 $0x1  }
0x13: {  	[smem:$0x3FB8] =	sst s0;
	s0 =	simm.s32 @!p1 $0x0  }
0x14: {  	s2 =	sld [smem:$0x3F9C];
	s0 =	simm.s32 @p1 $0x1  }
0x15: {  	[smem:$0x3FB9] =	sst s0;
	s0 =	simm.s32 @!p2 $0x0  }
0x16: {  	s3 =	sld [smem:$0x3FDB];
	s0 =	simm.s32 @p2 $0x1  }
0x17: {  	s4 =	simm.s32 $0x1BF5;
	[smem:$0x3FBB] =	sst s0  }
0x18: {  	s0 =	sld [smem:$0x3F9E];
	_ =	swait.ge [sflag:s4], $0x0  }
0x19: {  	s7 =	sld [smem:$0x3F9F]  }
0x1a: {  	s8 =	sadd.s32 $0xFFFFE003, lr  }
0x1b: {  	s9 =	sadd.s32 $0xFFFFFEF7, lr;
	s5 =	simm.s32 $0xFFFFFFFF;
	p2 =	slt.u32 s8, $0xFFFFF086  }
0x1c: {  	p1 =	slt.u32 s9, $0xF7A;
	s5 =	simm.s32 @!p2 $0x0  }
0x1d: {  	s5 =	simm.s32 @p1 $0x1;
	p0 =	seq.s32 s7, s2  }
0x1e: {  	s7 =	smul.u32 @!p0 $0xF7A, s2;
	p2 =	seq.s32 @!p0 s5, $0x0  }
0x1f: {  	s9 =	smul.u32 $0xF7A, s1;
	s8 =	simm.s32 @!p0 $0x1BF5;
	p2 =	por !p2, p0  }
0x20: {  	[sflag:s8] =	ssyncset.s32 @!p0 $0xFFFFF086;
	s6 =	sadd.s32 @!p0 s3, s7;
	s7 =	simm.s32 @!p0 $0x108  }
0x21: {  	s3 =	sadd.s32 s3, s9;
	s6 =	sadd.s32 @!p0 $0x88, s6;
	s7 =	simm.s32 @p2 $0x1082  }
0x22: {  	[simem:s7], [sflag:s8] =	dma.local @!p0 [hbm:s6], $0xF7A  }
0x23: {  	s9 =	sor.u32 $0xD0000000, s2;
	s6 =	simm.s32 $0x108;
	_ =	swait.ge @!p0 [sflag:s8], $0x0  }
0x24: {  	s3 =	sadd.s32 $0x88, s3;
	s6 =	simm.s32 @!p1 $0x1082;
	[sflag:s4] =	ssyncset.s32 $0xFFFFF086  }
0x25: {  	[simem:s6], [sflag:s4] =	dma.local [hbm:s3], $0xF7A  }
0x26: {  	[smem:$0x3F9F] =	sst s1;
	(tag) =	ssettag s2;
	_ =	strace s9  }
0x27: {  	s1 =	sld [smem:$0x3FAF]  }
0x28: {  	s2 =	sld [smem:$0x3FB0]  }
0x29: {  	s4 =	sld [smem:$0x3FB2]  }
0x2a: {  	p0 =	seq.s32 s5, $0x0;
	s5 =	sld [smem:$0x3FB3]  }
0x2b: {  	s6 =	sld [smem:$0x3FB4]  }
0x2c: {  	s7 =	sld [smem:$0x3FB5]  }
0x2d: {  	s3 =	simm.s32 $0x108;
	s8 =	sld [smem:$0x3FB6]  }
0x2e: {  	s3 =	simm.s32 @!p0 $0x1082;
	s9 =	sld [smem:$0x3FB7]  }
0x2f: {  	lr =	sadd.s32 s0, s3;
	s0 =	sld [smem:$0x3FAE]  }
0x30: {  	s3 =	sld [smem:$0x3FB1]  }
0x31: {  	[smem:$0x3FBA] =	sst s10  }
0x32: {  	s10 =	sld [smem:$0x3FB8];
	_ =	sdelay $0x3  }
0x33: {  	p0 =	seq.s32 s10, $0x1;
	s10 =	sld [smem:$0x3FBA];
	_ =	sdelay $0x3  }
0x34: {  	[smem:$0x3FBA] =	sst s10  }
0x35: {  	s10 =	sld [smem:$0x3FB9];
	_ =	sdelay $0x3  }
0x36: {  	p1 =	seq.s32 s10, $0x1;
	s10 =	sld [smem:$0x3FBA];
	_ =	sdelay $0x3  }
0x37: {  	[smem:$0x3FBA] =	sst s10  }
0x38: {  	s10 =	sld [smem:$0x3FBB]  }
0x39: {  	_ = 	snop;
	(pc) =	sbr.ind lr, $3  }
0x3a: {  	_ = 	snop  }
0x3b: {  	_ = 	snop  }
0x3c: {  	p2 =	seq.s32 s10, $0x1;
	s10 =	sld [smem:$0x3FBA]  }
0x3d: {  	_ =	shalt  }
0x3e: {  	_ =	shalt  }
0x3f: {  	_ =	shalt  }
0x40: {  	_ =	shalt  }
0x41: {  	_ =	shalt  }
0x42: {  	_ =	shalt  }
0x43: {  	_ =	shalt  }
0x44: {  	_ =	shalt  }
0x45: {  	_ =	shalt  }
0x46: {  	_ =	shalt  }
0x47: {  	_ =	shalt  }
0x48: {  	_ =	shalt  }
0x49: {  	_ =	shalt  }
0x4a: {  	_ =	shalt  }
0x4b: {  	_ =	shalt  }
0x4c: {  	_ =	shalt  }
0x4d: {  	_ =	shalt  }
0x4e: {  	_ =	shalt  }
0x4f: {  	_ =	shalt  }
0x50: {  	_ =	shalt  }
0x51: {  	_ =	shalt  }
0x52: {  	_ =	shalt  }
0x53: {  	_ =	shalt  }
0x54: {  	_ =	shalt  }
0x55: {  	_ =	shalt  }
0x56: {  	_ =	shalt  }
0x57: {  	_ =	shalt  }
0x58: {  	_ =	shalt  }
0x59: {  	_ =	shalt  }
0x5a: {  	_ =	shalt  }
0x5b: {  	_ =	shalt  }
0x5c: {  	_ =	shalt  }
0x5d: {  	_ =	shalt  }
0x5e: {  	_ =	shalt  }
0x5f: {  	_ =	shalt  }
0x60: {  	_ =	shalt  }
0x61: {  	_ =	shalt  }
0x62: {  	_ =	shalt  }
0x63: {  	_ =	shalt  }
0x64: {  	_ =	shalt  }
0x65: {  	_ =	shalt  }
0x66: {  	_ =	shalt  }
0x67: {  	_ =	shalt  }
0x68: {  	_ =	shalt  }
0x69: {  	_ =	shalt  }
0x6a: {  	_ =	shalt  }
0x6b: {  	_ =	shalt  }
0x6c: {  	_ =	shalt  }
0x6d: {  	_ =	shalt  }
0x6e: {  	_ =	shalt  }
0x6f: {  	_ =	shalt  }
0x70: {  	_ =	shalt  }
0x71: {  	_ =	shalt  }
0x72: {  	_ =	shalt  }
0x73: {  	_ =	shalt  }
0x74: {  	_ =	shalt  }
0x75: {  	_ =	shalt  }
0x76: {  	_ =	shalt  }
0x77: {  	_ =	shalt  }
0x78: {  	_ =	shalt  }
0x79: {  	_ =	shalt  }
0x7a: {  	_ =	shalt  }
0x7b: {  	_ =	shalt  }
0x7c: {  	_ =	shalt  }
0x7d: {  	_ =	shalt  }
0x7e: {  	_ =	shalt  }
0x7f: {  	_ =	shalt  }
0x80: {  	_ =	shalt  }
0x81: {  	_ =	shalt  }
0x82: {  	_ =	shalt  }
0x83: {  	_ =	shalt  }
0x84: {  	_ =	shalt  }
0x85: {  	_ =	shalt  }
0x86: {  	_ =	shalt  }
0x87: {  	_ =	shalt  }
.Lfunc_end0:
.L_simem_size_0:
called_computation.1_lowered:
.L_overlay_start_0:
0x88: {  	s2 =	sld [smem:$0x3FD9]  }
0x89: {  	s3 =	sld [smem:$0x3FFE];
	_ =	sdelay $0x1  }
0x8a: {  	s1 =	srdreg.scid  }
0x8b: {  	s0 =	sand.u32 $0x1, s1  }
0x8c: {  	s17 =	sshll.u32 s0, $0xA;
	s2 =	sadd.s32 s3, s2  }
0x8d: {  	s2 =	sadd.s32 s2, s17  }
0x8e: {  	[smem:$0x3FC6] =	sst s2  }
0x8f: {  	_ = 	snop  }
0x90: {  	(tm) =	ssettm $0x1  }
0x91: {  	s18 =	sld [smem:$0x3FFB];
	_ =	sdelay $0x3  }
0x92: {  	_ =	strace s18  }
0x93: {  	s2 =	sld [smem:$0x3FFC];
	_ =	sdelay $0x3  }
0x94: {  	_ =	strace s2  }
0x95: {  	s2 =	sld [smem:$0x3FFD];
	_ =	sdelay $0x3  }
0x96: {  	_ =	strace s2  }
0x97: {  	_ =	strace $0x8FFFFFFF  }
0x98: {  	s19 =	sld [smem:$0x3FDB];
	_ =	sdelay $0x1  }
0x99: {  	s20 =	simm.s32 $_scs_section_size  }
0x9a: {  	s4 =	simm.s32 $_size__tile_overlayer_lowered;
	s5 =	simm.s32 $_tile_overlayer_lowered  }
0x9b: {  	s6 =	simm.s32 $0x1BFF;
	s21 =	sshll.u32 s5, $0x1;
	s3 =	sadd.s32 s20, s19  }
0x9c: {  	s22 =	simm.s32 $0x0;
	s4 =	sshll.u32 s4, $0x1;
	s5 =	sadd.s32 s21, s3  }
0x9d: {  	[timem:s22], [sflag:s6] =	dma.local [hbm:s5], s4  }
0x9e: {  	_ =	swait.ge [sflag:s6], s4  }
0x9f: {  	s4 =	ssub.s32 $0x0, s4;
	[sflag:s6] =	ssyncset.done $0x0  }
0xa0: {  	[sflag:s6] =	ssyncadd.s32 s4;
	_ =	sdelay $0x1  }
0xa1: {  	s23 =	simm.s32 $0x1B8B  }
0xa2: {  	_ =	swait.ge [sflag:s23], $0x1  }
0xa3: {  	[sflag:s23] =	ssyncset.done $0x0  }
0xa4: {  	[sflag:s23] =	ssyncadd.s32 $0xFFFFFFFF  }
0xa5: {  	s4 =	sld [smem:$0x0]  }
0xa6: {  	s5 =	sand.u32 $0xFFFFFFFE, s1  }
0xa7: {  	p0 =	sne.s32 s1, s5  }
0xa8: {  	s5 =	sshll.u32 @p0 s5, $0xE  }
0xa9: {  	s5 =	sadd.s32 @p0 $0x11B8D, s5;
	s6 =	sshll.u32 @p0 s4, $0x11  }
0xaa: {  	s5 =	sor.u32 @p0 s6, s5  }
0xab: {  	[sflag:s5] =	ssyncadd.remote.s32 @p0 $0x1;
	_ =	sdelay $0x1  }
0xac: {  	s5 =	simm.s32 @p0 $0x1B8D  }
0xad: {  	_ =	swait.eq @p0 [sflag:s5], $0x1  }
0xae: {  	[sflag:s5] =	ssyncadd.s32 @p0 $0xFFFFFFFF  }
0xaf: {  	s6 =	sshll.u32 @!p0 s1, $0xE  }
0xb0: {  	s6 =	sor.u32 @!p0 $0x4000, s6;
	s5 =	simm.s32 @!p0 $0x1B8D  }
0xb1: {  	s4 =	sshll.u32 @!p0 s4, $0x11;
	s6 =	sadd.s32 @!p0 $0x11B8D, s6;
	_ =	swait.eq @!p0 [sflag:s5], $0x1  }
0xb2: {  	s4 =	sor.u32 @!p0 s4, s6;
	[sflag:s5] =	ssyncadd.s32 @!p0 $0xFFFFFFFF  }
0xb3: {  	s25 =	simm.s32 $0x1B8E;
	s24 =	sld [smem:$0x3FFE];
	[sflag:s4] =	ssyncadd.remote.s32 @!p0 $0x1  }
0xb4: {  	s26 =	simm.s32 $execute0_lowered;
	[smem:$0x3FD2] =	sst s25  }
0xb5: {  	s5 =	sshll.u32 s26, $0x1;
	_ =	strace $0x80000049;
	[dreg:$0x1] =	wrdreg $0xFFFFFFFF  }
0xb6: {  	s28 =	simm.s32 $_size_execute0_lowered;
	s3 =	sadd.s32 s3, s5;
	[dreg:$0x0] =	wrdreg $0x0  }
0xb7: {  	s5 =	sshll.u32 s28, $0x1;
	[dreg:$0x2] =	wrdreg s3  }
0xb8: {  	[dreg:$0x3] =	wrdreg s5  }
0xb9: {  	[dreg:$0x4] =	wrdreg $0xC0  }
0xba: {  	_ =	task [dreg:s22], $0x5FFFF  }
0xbb: {  	[dreg:$0x1] =	wrdreg $0xFFFFFFFF  }
0xbc: {  	[dreg:$0x0] =	wrdreg $0x60  }
0xbd: {  	[dreg:$0x2] =	wrdreg s24  }
0xbe: {  	[dreg:$0x3] =	wrdreg $0xA  }
0xbf: {  	_ =	task.clear_ibuf [dreg:s22], $0x4FFFF;
	_ =	strace $0x90000049  }
0xc0: {  	s29 =	simm.s32 $0xA;
	_ =	strace $0x8000004B  }
0xc1: {  	_ =	swait.ge [sflag:s29], $0x1  }
0xc2: {  	[sflag:s29] =	ssyncadd.s32 $0xFFFFFFFF  }
0xc3: {  	_ =	strace $0x9000004B  }
0xc4: {  	_ =	sfence  }
0xc5: {  	s30 =	sld [smem:$0x0];
	_ =	sdelay $0x2  }
0xc6: {  	s31 =	sshll.u32 s1, $0xD;
	s1 =	sshrl.u32 s1, $0x2  }
0xc7: {  	s4 =	sand.u32 $0x4000, s31;
	s1 =	sadd.s32 s1, s30  }
0xc8: {  	s0 =	sor.u32 s4, s0;
	s1 =	sshll.u32 s1, $0x11  }
0xc9: {  	s0 =	sor.u32 s1, s0  }
0xca: {  	s0 =	sadd.s32 $0x8F2B, s0  }
0xcb: {  	[sflag:s0] =	ssyncadd.remote.s32 $0x1  }
0xcc: {  	_ =	sfence.sel $0xFFFF  }
0xcd: {  	[dreg:$0x0] =	wrdreg $0xFFFFFFFF;
	(pc) =	sbr.abs _section_cstart, $3  }
0xce: {  	[dreg:$0x1] =	wrdreg $0xFFFFFFFF  }
0xcf: {  	_ =	task.clear_ibuf [dreg:s22], $0x2FFFF;
	_ =	strace $0x9FFFFFFF  }
0xd0: {  	(tm) =	ssettm $0x7FFFFFFF  }
0xd1: {  	_ =	shalt  }
tec
execute0_lowered:
.L_overlay_start_1:
0x0: {  	(tag) =	ssettag $0x1  }
0x1: {  	s1 =	srdreg.scid;
	s0 =	stileid.u32  }
0x2: {  	s4 =	rddreg [dreg:$0x0];
	s2 =	simm.s32 $0x0;
	s10 =	simm.s32 $0x80  }
0x3: {  	s11 =	simm.s32 $0x3200;
	s12 =	simm.s32 $0x7200;
	s13 =	simm.s32 $0x100  }
0x4: {  	s14 =	simm.s32 $0xB200;
	s15 =	simm.s32 $0x180;
	s16 =	simm.s32 $0xF200  }
0x5: {  	s17 =	simm.s32 $0x1;
	s3 =	sand.u32 $0x1, s1;
	s30 =	sshll.u32 s0, $0x1  }
0x6: {  	s18 =	simm.s32 $0x2;
	s1 =	rddreg [dreg:$0x1];
	s6 =	sor.u32 s3, s30  }
0x7: {  	s19 =	simm.s32 $0x0;
	[smem:$0x7FF] =	sst s2;
	s5 =	smul.u32 $0x640, s6  }
.Ltmp0:
0x8: {  	_ =	strace $0x8000004A;
	s7 =	ssub.s32 $0x2, s3;
	(pc) =	sbr.rel .LBB2_1-.Ltmp0, $4  }
0x9: {  	s3 =	sadd.s32 $0xD400, s4;
	s8 =	sshrl.u32 s7, $0x1;
	s9 =	smul.u32 $0x32000, s6  }
0xa: {  	s7 =	ssub.s32 s7, s8;
	s5 =	sadd.s32 s5, s4;
	s4 =	sadd.s32 $0x159C000, s4  }
0xb: {  	s6 =	smul.u32 $0x190000, s6;
	s7 =	smax.u32 s7, $0x1;
	s31 =	sadd.s32 s9, s4  }
0xc: {  	s5 =	sadd.s32 $0x158F800, s5;
	s9 =	simm.s32 $0x3;
	s8 =	sadd.s32 $0x1000, s31  }
.LBB2_8:
0xd: {  	s19 =	sadd.s32 $0x1, s19  }
0xe: {  	p0 =	sne.s32 s19, s7  }
.Ltmp1:
0xf: {  	_ = 	snop;
	(pc) =	sbr.rel @!p0 .LBB2_9-.Ltmp1, $1  }
0x10: {  	_ =	sdelay $0x3  }
.LBB2_1:
0x11: {  	[tilespmem:s2], [sflag:$0x3] =	stream.linear.gather [hbm4b:s5+s2], $0x3200, $0x38;
	[tilespmem:$0x13200] =	vst v63  }
0x12: {  	_ =	swait.ge [sflag:s9], $0x3200  }
0x13: {  	[sflag:s9] =	ssyncset.done $0x0  }
0x14: {  	[sflag:s9] =	ssyncadd.s32 $0xFFFFCE00  }
0x15: {  	[tilespmem:s11], [sflag:$0x1] =	stream.indirect.gather [hbm4b:s3+s10], $0x80, s2, s10, $0xb8;
	[tilespmem:$0x13200] =	vst v63  }
0x16: {  	_ = 	snop  }
0x17: {  	[tilespmem:s12], [sflag:$0x1] =	stream.indirect.gather [hbm4b:s3+s10], $0x80, s10, s10, $0xb8;
	[tilespmem:$0x13200] =	vst v63  }
0x18: {  	_ = 	snop  }
0x19: {  	[tilespmem:s14], [sflag:$0x2] =	stream.indirect.gather [hbm4b:s3+s10], $0x80, s13, s10, $0xb8;
	[tilespmem:$0x13200] =	vst v63  }
0x1a: {  	s20 =	simm.s32 $0x0  }
0x1b: {  	[tilespmem:s16], [sflag:$0x2] =	stream.indirect.gather [hbm4b:s3+s10], $0x80, s15, s10, $0xb8;
	[tilespmem:$0x13200] =	vst v63  }
.LBB2_2:
0x1c: {  	_ =	swait.ge [sflag:s17], $0x4000  }
0x1d: {  	s21 =	sshll.u32 s20, $0x10;
	[sflag:s17] =	ssyncset.done $0x0  }
0x1e: {  	s21 =	sadd.s32 s6, s21;
	[sflag:s17] =	ssyncadd.s32 $0xFFFFC000  }
0x1f: {  	s22 =	simm.s32 $0x3200;
	s21 =	sshrl.u32 s21, $0x3;
	_ =	swait.ge [sflag:s17], $0x4000  }
0x20: {  	s23 =	simm.s32 $0x10;
	s21 =	sadd.s32 s4, s21;
	[sflag:s17] =	ssyncset.done $0x0  }
0x21: {  	s24 =	simm.s32 $0x3280;
	s25 =	sadd.s32 $0x0, s21;
	[sflag:s17] =	ssyncadd.s32 $0xFFFFC000  }
.LBB2_3:
0x22: {  	[hbm4b:s25+s2] =	stream.linear.scatter [tilespmem:s22], [sflag:$0x3], $0x40, $0x38;
	[tilespmem:$0x13200] =	vst v63  }
0x23: {  	s25 =	smov.u32 s23;
	s22 =	smov.u32 s24;
	p0 =	sne.s32 s23, $0xFF0  }
.Ltmp2:
0x24: {  	s23 =	sadd.s32 $0x10, s23;
	(pc) =	sbr.rel @p0 .LBB2_3-.Ltmp2, $2  }
0x25: {  	_ =	sdelay $0x2  }
0x26: {  	s24 =	sadd.s32 $0x80, s24;
	s25 =	sadd.s32 s25, s21  }
0x27: {  	[hbm4b:s25+s2] =	stream.linear.scatter [tilespmem:s22], [sflag:$0x3], $0x40, $0x38;
	[tilespmem:$0x13200] =	vst v63  }
0x28: {  	s21 =	sshll.u32 s20, $0xB;
	p0 =	seq.s32 s20, $0x18;
	_ =	swait.ge [sflag:s9], $0x4000  }
0x29: {  	s22 =	sshrl.u32 @!p0 s21, $0x2;
	s24 =	simm.s32 @!p0 $0x80;
	[sflag:s9] =	ssyncset.done $0x0  }
0x2a: {  	s25 =	simm.s32 @!p0 $0x3200;
	s23 =	sadd.s32 @!p0 $0x200, s22;
	[sflag:s9] =	ssyncadd.s32 $0xFFFFC000  }
0x2b: {  	[tilespmem:s25], [sflag:$0x1] =	stream.indirect.gather @!p0 [hbm4b:s3+s24], $0x80, s23, s24, $0xb8;
	[tilespmem:$0x13200] =	vst v63  }
0x2c: {  	s22 =	sadd.s32 @!p0 $0x280, s22;
	s23 =	simm.s32 @!p0 $0x7200  }
0x2d: {  	[tilespmem:s23], [sflag:$0x1] =	stream.indirect.gather @!p0 [hbm4b:s3+s24], $0x80, s22, s24, $0xb8;
	[tilespmem:$0x13200] =	vst v63  }
0x2e: {  	_ =	swait.ge [sflag:s18], $0x4000  }
0x2f: {  	[sflag:s18] =	ssyncset.done $0x0  }
0x30: {  	[sflag:s18] =	ssyncadd.s32 $0xFFFFC000  }
0x31: {  	s31 =	sshll.u32 s20, $0xD;
	s25 =	simm.s32 $0xB280;
	_ =	swait.ge [sflag:s18], $0x4000  }
0x32: {  	s22 =	sadd.s32 s8, s31;
	s23 =	simm.s32 $0xB200;
	[sflag:s18] =	ssyncset.done $0x0  }
0x33: {  	s24 =	simm.s32 $0x10;
	s26 =	sadd.s32 $0x0, s22;
	[sflag:s18] =	ssyncadd.s32 $0xFFFFC000  }
.LBB2_5:
0x34: {  	[hbm4b:s26+s2] =	stream.linear.scatter [tilespmem:s23], [sflag:$0x3], $0x40, $0x38;
	[tilespmem:$0x13200] =	vst v63  }
0x35: {  	s26 =	smov.u32 s24;
	s23 =	smov.u32 s25;
	p1 =	sne.s32 s24, $0xFF0  }
.Ltmp3:
0x36: {  	s24 =	sadd.s32 $0x10, s24;
	(pc) =	sbr.rel @p1 .LBB2_5-.Ltmp3, $2  }
0x37: {  	_ =	sdelay $0x2  }
0x38: {  	s25 =	sadd.s32 $0x80, s25;
	s26 =	sadd.s32 s26, s22  }
.Ltmp4:
0x39: {  	(pc) =	sbr.rel @p0 .LBB2_8-.Ltmp4, $4  }
0x3a: {  	[hbm4b:s26+s2] =	stream.linear.scatter [tilespmem:s23], [sflag:$0x3], $0x40, $0x38;
	[tilespmem:$0x13200] =	vst v63  }
0x3b: {  	_ =	swait.ge [sflag:s9], $0x4000  }
0x3c: {  	[sflag:s9] =	ssyncset.done $0x0  }
0x3d: {  	[sflag:s9] =	ssyncadd.s32 $0xFFFFC000  }
.Ltmp5:
0x3e: {  	s21 =	sshrl.u32 s21, $0x2;
	(pc) =	sbr.rel .LBB2_2-.Ltmp5, $4  }
0x3f: {  	s22 =	sadd.s32 $0x300, s21  }
0x40: {  	[tilespmem:s14], [sflag:$0x2] =	stream.indirect.gather [hbm4b:s3+s10], $0x80, s22, s10, $0xb8;
	[tilespmem:$0x13200] =	vst v63  }
0x41: {  	s20 =	sadd.s32 $0x1, s20;
	s21 =	sadd.s32 $0x380, s21  }
0x42: {  	[tilespmem:s16], [sflag:$0x2] =	stream.indirect.gather [hbm4b:s3+s10], $0x80, s21, s10, $0xb8;
	[tilespmem:$0x13200] =	vst v63  }
.LBB2_9:
0x43: {  	_ =	sfence.sel $0x180000  }
0x44: {  	[bflag:$0x0] =	sbarrier.arrive $0xFFFF  }
0x45: {  	p0 =	sne.s32 s0, $0x0;
	_ =	strace $0x9000004A  }
0x46: {  	s0 =	sadd.s32 @!p0 $0x100000, s1;
	[bflag:$0x2] =	sbarrier.arrive $0xFFFF  }
0x47: {  	[sflag:s0] =	ssyncadd.tile.s32 @!p0 $0x1;
	_ =	shalt  }
.Lfunc_end2:
_tile_overlayer_lowered:
.L_overlay_start_2:
0x48: {  	(tag) =	ssettag $0x2  }
0x49: {  	s0 =	rddreg [dreg:$0x0];
	s2 =	stileid.u32  }
0x4a: {  	s1 =	rddreg [dreg:$0x1];
	p0 =	sne.s32 s2, $0x0  }
0x4b: {  	s3 =	rddreg [dreg:$0x2];
	[bflag:$0x3] =	sbarrier.arrive $0xFFFF;
	s2 =	simm.s32 @!p0 $0x1C03  }
0x4c: {  	[timem:s3], [sflag:s2] =	dma.local @!p0 [hbm:s0], s1  }
0x4d: {  	s0 =	simm.s32 @!p0 $0x3  }
0x4e: {  	_ =	swait.ge @!p0 [sflag:s0], s1  }
0x4f: {  	s1 =	ssub.s32 @!p0 $0x0, s1;
	[sflag:s0] =	ssyncset.done @!p0 $0x0  }
0x50: {  	[sflag:s0] =	ssyncadd.s32 @!p0 s1  }
0x51: {  	[bflag:$0x3] =	sbarrier.arrive $0xFFFF  }
0x52: {  	_ =	shalt  }

// kernel: _embed.7.cloned.1.call-start
scs
__scs_entry_jumppad:
0x0: {  	(pc) =	sbr.rel $0x88, $3  }
0x1: {  	(tag) =	ssettag $0x0;
	lr =	simm.s32 $0x1  }
0x2: {  	[smem:$0x3F9F] =	sst lr;
	_ =	strace $0xD0000000  }
0x3: {  	_ = 	snop  }
0x4: {  	_ = 	snop  }
0x5: {  	_ = 	snop  }
0x6: {  	_ = 	snop  }
0x7: {  	_ = 	snop  }
__scs_overlays_trampoline_lowered:
0x8: {  	[smem:$0x3FAE] =	sst s0  }
0x9: {  	[smem:$0x3FAF] =	sst s1  }
0xa: {  	[smem:$0x3FB0] =	sst s2  }
0xb: {  	[smem:$0x3FB1] =	sst s3  }
0xc: {  	[smem:$0x3FB2] =	sst s4  }
0xd: {  	[smem:$0x3FB3] =	sst s5  }
0xe: {  	[smem:$0x3FB4] =	sst s6  }
0xf: {  	[smem:$0x3FB5] =	sst s7  }
0x10: {  	[smem:$0x3FB6] =	sst s8  }
0x11: {  	[smem:$0x3FB7] =	sst s9;
	s0 =	simm.s32 @!p0 $0x0  }
0x12: {  	s1 =	sld [smem:$0x3F9D];
	s0 =	simm.s32 @p0 $0x1  }
0x13: {  	[smem:$0x3FB8] =	sst s0;
	s0 =	simm.s32 @!p1 $0x0  }
0x14: {  	s2 =	sld [smem:$0x3F9C];
	s0 =	simm.s32 @p1 $0x1  }
0x15: {  	[smem:$0x3FB9] =	sst s0;
	s0 =	simm.s32 @!p2 $0x0  }
0x16: {  	s3 =	sld [smem:$0x3FDB];
	s0 =	simm.s32 @p2 $0x1  }
0x17: {  	s4 =	simm.s32 $0x1BF5;
	[smem:$0x3FBB] =	sst s0  }
0x18: {  	s0 =	sld [smem:$0x3F9E];
	_ =	swait.ge [sflag:s4], $0x0  }
0x19: {  	s7 =	sld [smem:$0x3F9F]  }
0x1a: {  	s8 =	sadd.s32 $0xFFFFE003, lr  }
0x1b: {  	s9 =	sadd.s32 $0xFFFFFEF7, lr;
	s5 =	simm.s32 $0xFFFFFFFF;
	p2 =	slt.u32 s8, $0xFFFFF086  }
0x1c: {  	p1 =	slt.u32 s9, $0xF7A;
	s5 =	simm.s32 @!p2 $0x0  }
0x1d: {  	s5 =	simm.s32 @p1 $0x1;
	p0 =	seq.s32 s7, s2  }
0x1e: {  	s7 =	smul.u32 @!p0 $0xF7A, s2;
	p2 =	seq.s32 @!p0 s5, $0x0  }
0x1f: {  	s9 =	smul.u32 $0xF7A, s1;
	s8 =	simm.s32 @!p0 $0x1BF5;
	p2 =	por !p2, p0  }
0x20: {  	[sflag:s8] =	ssyncset.s32 @!p0 $0xFFFFF086;
	s6 =	sadd.s32 @!p0 s3, s7;
	s7 =	simm.s32 @!p0 $0x108  }
0x21: {  	s3 =	sadd.s32 s3, s9;
	s6 =	sadd.s32 @!p0 $0x88, s6;
	s7 =	simm.s32 @p2 $0x1082  }
0x22: {  	[simem:s7], [sflag:s8] =	dma.local @!p0 [hbm:s6], $0xF7A  }
0x23: {  	s9 =	sor.u32 $0xD0000000, s2;
	s6 =	simm.s32 $0x108;
	_ =	swait.ge @!p0 [sflag:s8], $0x0  }
0x24: {  	s3 =	sadd.s32 $0x88, s3;
	s6 =	simm.s32 @!p1 $0x1082;
	[sflag:s4] =	ssyncset.s32 $0xFFFFF086  }
0x25: {  	[simem:s6], [sflag:s4] =	dma.local [hbm:s3], $0xF7A  }
0x26: {  	[smem:$0x3F9F] =	sst s1;
	(tag) =	ssettag s2;
	_ =	strace s9  }
0x27: {  	s1 =	sld [smem:$0x3FAF]  }
0x28: {  	s2 =	sld [smem:$0x3FB0]  }
0x29: {  	s4 =	sld [smem:$0x3FB2]  }
0x2a: {  	p0 =	seq.s32 s5, $0x0;
	s5 =	sld [smem:$0x3FB3]  }
0x2b: {  	s6 =	sld [smem:$0x3FB4]  }
0x2c: {  	s7 =	sld [smem:$0x3FB5]  }
0x2d: {  	s3 =	simm.s32 $0x108;
	s8 =	sld [smem:$0x3FB6]  }
0x2e: {  	s3 =	simm.s32 @!p0 $0x1082;
	s9 =	sld [smem:$0x3FB7]  }
0x2f: {  	lr =	sadd.s32 s0, s3;
	s0 =	sld [smem:$0x3FAE]  }
0x30: {  	s3 =	sld [smem:$0x3FB1]  }
0x31: {  	[smem:$0x3FBA] =	sst s10  }
0x32: {  	s10 =	sld [smem:$0x3FB8];
	_ =	sdelay $0x3  }
0x33: {  	p0 =	seq.s32 s10, $0x1;
	s10 =	sld [smem:$0x3FBA];
	_ =	sdelay $0x3  }
0x34: {  	[smem:$0x3FBA] =	sst s10  }
0x35: {  	s10 =	sld [smem:$0x3FB9];
	_ =	sdelay $0x3  }
0x36: {  	p1 =	seq.s32 s10, $0x1;
	s10 =	sld [smem:$0x3FBA];
	_ =	sdelay $0x3  }
0x37: {  	[smem:$0x3FBA] =	sst s10  }
0x38: {  	s10 =	sld [smem:$0x3FBB]  }
0x39: {  	_ = 	snop;
	(pc) =	sbr.ind lr, $3  }
0x3a: {  	_ = 	snop  }
0x3b: {  	_ = 	snop  }
0x3c: {  	p2 =	seq.s32 s10, $0x1;
	s10 =	sld [smem:$0x3FBA]  }
0x3d: {  	_ =	shalt  }
0x3e: {  	_ =	shalt  }
0x3f: {  	_ =	shalt  }
0x40: {  	_ =	shalt  }
0x41: {  	_ =	shalt  }
0x42: {  	_ =	shalt  }
0x43: {  	_ =	shalt  }
0x44: {  	_ =	shalt  }
0x45: {  	_ =	shalt  }
0x46: {  	_ =	shalt  }
0x47: {  	_ =	shalt  }
0x48: {  	_ =	shalt  }
0x49: {  	_ =	shalt  }
0x4a: {  	_ =	shalt  }
0x4b: {  	_ =	shalt  }
0x4c: {  	_ =	shalt  }
0x4d: {  	_ =	shalt  }
0x4e: {  	_ =	shalt  }
0x4f: {  	_ =	shalt  }
0x50: {  	_ =	shalt  }
0x51: {  	_ =	shalt  }
0x52: {  	_ =	shalt  }
0x53: {  	_ =	shalt  }
0x54: {  	_ =	shalt  }
0x55: {  	_ =	shalt  }
0x56: {  	_ =	shalt  }
0x57: {  	_ =	shalt  }
0x58: {  	_ =	shalt  }
0x59: {  	_ =	shalt  }
0x5a: {  	_ =	shalt  }
0x5b: {  	_ =	shalt  }
0x5c: {  	_ =	shalt  }
0x5d: {  	_ =	shalt  }
0x5e: {  	_ =	shalt  }
0x5f: {  	_ =	shalt  }
0x60: {  	_ =	shalt  }
0x61: {  	_ =	shalt  }
0x62: {  	_ =	shalt  }
0x63: {  	_ =	shalt  }
0x64: {  	_ =	shalt  }
0x65: {  	_ =	shalt  }
0x66: {  	_ =	shalt  }
0x67: {  	_ =	shalt  }
0x68: {  	_ =	shalt  }
0x69: {  	_ =	shalt  }
0x6a: {  	_ =	shalt  }
0x6b: {  	_ =	shalt  }
0x6c: {  	_ =	shalt  }
0x6d: {  	_ =	shalt  }
0x6e: {  	_ =	shalt  }
0x6f: {  	_ =	shalt  }
0x70: {  	_ =	shalt  }
0x71: {  	_ =	shalt  }
0x72: {  	_ =	shalt  }
0x73: {  	_ =	shalt  }
0x74: {  	_ =	shalt  }
0x75: {  	_ =	shalt  }
0x76: {  	_ =	shalt  }
0x77: {  	_ =	shalt  }
0x78: {  	_ =	shalt  }
0x79: {  	_ =	shalt  }
0x7a: {  	_ =	shalt  }
0x7b: {  	_ =	shalt  }
0x7c: {  	_ =	shalt  }
0x7d: {  	_ =	shalt  }
0x7e: {  	_ =	shalt  }
0x7f: {  	_ =	shalt  }
0x80: {  	_ =	shalt  }
0x81: {  	_ =	shalt  }
0x82: {  	_ =	shalt  }
0x83: {  	_ =	shalt  }
0x84: {  	_ =	shalt  }
0x85: {  	_ =	shalt  }
0x86: {  	_ =	shalt  }
0x87: {  	_ =	shalt  }
.Lfunc_end0:
.L_simem_size_0:
called_computation_lowered:
.L_overlay_start_0:
0x88: {  	s2 =	sld [smem:$0x3FD9]  }
0x89: {  	s3 =	sld [smem:$0x3FFE];
	_ =	sdelay $0x1  }
0x8a: {  	s1 =	srdreg.scid  }
0x8b: {  	s0 =	sand.u32 $0x1, s1  }
0x8c: {  	s16 =	sshll.u32 s0, $0xA;
	s2 =	sadd.s32 s3, s2  }
0x8d: {  	s2 =	sadd.s32 s2, s16  }
0x8e: {  	[smem:$0x3FC6] =	sst s2  }
0x8f: {  	_ = 	snop  }
0x90: {  	(tm) =	ssettm $0x1  }
0x91: {  	s17 =	sld [smem:$0x3FFB];
	_ =	sdelay $0x3  }
0x92: {  	_ =	strace s17  }
0x93: {  	s2 =	sld [smem:$0x3FFC];
	_ =	sdelay $0x3  }
0x94: {  	_ =	strace s2  }
0x95: {  	s2 =	sld [smem:$0x3FFD];
	_ =	sdelay $0x3  }
0x96: {  	_ =	strace s2  }
0x97: {  	_ =	strace $0x8FFFFFFF  }
0x98: {  	s18 =	sld [smem:$0x3FDB];
	_ =	sdelay $0x1  }
0x99: {  	s19 =	simm.s32 $_scs_section_size  }
0x9a: {  	s4 =	simm.s32 $_size__tile_overlayer_lowered;
	s5 =	simm.s32 $_tile_overlayer_lowered  }
0x9b: {  	s22 =	simm.s32 $0x1BFF;
	s21 =	sshll.u32 s5, $0x1;
	s2 =	sadd.s32 s19, s18  }
0x9c: {  	s6 =	simm.s32 $0x0;
	s20 =	sshll.u32 s4, $0x1;
	s4 =	sadd.s32 s21, s2  }
0x9d: {  	[timem:s6], [sflag:s22] =	dma.local [hbm:s4], s20  }
0x9e: {  	_ =	swait.ge [sflag:s22], s20  }
0x9f: {  	s3 =	ssub.s32 $0x0, s20;
	[sflag:s22] =	ssyncset.done $0x0  }
0xa0: {  	[sflag:s22] =	ssyncadd.s32 s3;
	_ =	sdelay $0x1  }
0xa1: {  	s23 =	simm.s32 $0x1B8B  }
0xa2: {  	_ =	swait.ge [sflag:s23], $0x1  }
0xa3: {  	[sflag:s23] =	ssyncset.done $0x0  }
0xa4: {  	s25 =	simm.s32 $0x1B8E;
	s24 =	sld [smem:$0x3FFE];
	[sflag:s23] =	ssyncadd.s32 $0xFFFFFFFF  }
0xa5: {  	s26 =	simm.s32 $execute0_lowered;
	[smem:$0x3FD2] =	sst s25  }
0xa6: {  	s4 =	sshll.u32 s26, $0x1;
	_ =	strace $0x80000046;
	[dreg:$0x1] =	wrdreg $0xFFFFFFFF  }
0xa7: {  	s28 =	simm.s32 $_size_execute0_lowered;
	s2 =	sadd.s32 s2, s4;
	[dreg:$0x0] =	wrdreg $0x0  }
0xa8: {  	s4 =	sshll.u32 s28, $0x1;
	[dreg:$0x2] =	wrdreg s2  }
0xa9: {  	[dreg:$0x3] =	wrdreg s4  }
0xaa: {  	[dreg:$0x4] =	wrdreg $0xC0  }
0xab: {  	_ =	task [dreg:s6], $0x5FFFF  }
0xac: {  	[dreg:$0x1] =	wrdreg $0xFFFFFFFF  }
0xad: {  	[dreg:$0x0] =	wrdreg $0x60  }
0xae: {  	[dreg:$0x2] =	wrdreg s24  }
0xaf: {  	[dreg:$0x3] =	wrdreg $0x9  }
0xb0: {  	_ =	task.clear_ibuf [dreg:s6], $0x4FFFF;
	_ =	strace $0x90000046  }
0xb1: {  	s29 =	simm.s32 $0x9;
	_ =	strace $0x80000048  }
0xb2: {  	_ =	swait.ge [sflag:s29], $0x1  }
0xb3: {  	[sflag:s29] =	ssyncadd.s32 $0xFFFFFFFF  }
0xb4: {  	_ =	strace $0x90000048  }
0xb5: {  	_ =	sfence  }
0xb6: {  	s30 =	sld [smem:$0x0];
	_ =	sdelay $0x2  }
0xb7: {  	s31 =	sshll.u32 s1, $0xD;
	s1 =	sshrl.u32 s1, $0x2  }
0xb8: {  	s3 =	sand.u32 $0x4000, s31;
	s1 =	sadd.s32 s1, s30  }
0xb9: {  	s0 =	sor.u32 s3, s0;
	s1 =	sshll.u32 s1, $0x11  }
0xba: {  	s0 =	sor.u32 s1, s0  }
0xbb: {  	s0 =	sadd.s32 $0x8F2B, s0  }
0xbc: {  	[sflag:s0] =	ssyncadd.remote.s32 $0x1  }
0xbd: {  	_ =	sfence.sel $0xFFFF  }
0xbe: {  	[dreg:$0x0] =	wrdreg $0xFFFFFFFF;
	(pc) =	sbr.abs _section_cstart, $3  }
0xbf: {  	[dreg:$0x1] =	wrdreg $0xFFFFFFFF  }
0xc0: {  	_ =	task.clear_ibuf [dreg:s6], $0x2FFFF;
	_ =	strace $0x9FFFFFFF  }
0xc1: {  	(tm) =	ssettm $0x7FFFFFFF  }
tec
execute0_lowered:
.L_overlay_start_1:
0x0: {  	(tag) =	ssettag $0x1  }
0x1: {  	s1 =	srdreg.scid;
	s0 =	stileid.u32  }
0x2: {  	s4 =	rddreg [dreg:$0x0];
	s2 =	simm.s32 $0x0;
	s10 =	simm.s32 $0x80  }
0x3: {  	s11 =	simm.s32 $0x3200;
	s12 =	simm.s32 $0x7200;
	s13 =	simm.s32 $0x100  }
0x4: {  	s14 =	simm.s32 $0xB200;
	s15 =	simm.s32 $0x180;
	s16 =	simm.s32 $0xF200  }
0x5: {  	s17 =	simm.s32 $0x1;
	s3 =	sand.u32 $0x1, s1;
	s30 =	sshll.u32 s0, $0x1  }
0x6: {  	s18 =	simm.s32 $0x2;
	s1 =	rddreg [dreg:$0x1];
	s6 =	sor.u32 s3, s30  }
0x7: {  	s19 =	simm.s32 $0x0;
	[smem:$0x7FF] =	sst s2;
	s5 =	smul.u32 $0x640, s6  }
.Ltmp0:
0x8: {  	_ =	strace $0x80000047;
	s7 =	ssub.s32 $0x2, s3;
	(pc) =	sbr.rel .LBB2_1-.Ltmp0, $4  }
0x9: {  	s3 =	sadd.s32 $0xD400, s4;
	s8 =	sshrl.u32 s7, $0x1;
	s9 =	smul.u32 $0x32000, s6  }
0xa: {  	s7 =	ssub.s32 s7, s8;
	s5 =	sadd.s32 s5, s4;
	s4 =	sadd.s32 $0xF4F800, s4  }
0xb: {  	s6 =	smul.u32 $0x190000, s6;
	s7 =	smax.u32 s7, $0x1;
	s31 =	sadd.s32 s9, s4  }
0xc: {  	s5 =	sadd.s32 $0xC00, s5;
	s9 =	simm.s32 $0x3;
	s8 =	sadd.s32 $0x1000, s31  }
.LBB2_8:
0xd: {  	s19 =	sadd.s32 $0x1, s19  }
0xe: {  	p0 =	sne.s32 s19, s7  }
.Ltmp1:
0xf: {  	_ = 	snop;
	(pc) =	sbr.rel @!p0 .LBB2_9-.Ltmp1, $1  }
0x10: {  	_ =	sdelay $0x3  }
.LBB2_1:
0x11: {  	[tilespmem:s2], [sflag:$0x3] =	stream.linear.gather [hbm4b:s5+s2], $0x3200, $0x38;
	[tilespmem:$0x13200] =	vst v63  }
0x12: {  	_ =	swait.ge [sflag:s9], $0x3200  }
0x13: {  	[sflag:s9] =	ssyncset.done $0x0  }
0x14: {  	[sflag:s9] =	ssyncadd.s32 $0xFFFFCE00  }
0x15: {  	[tilespmem:s11], [sflag:$0x1] =	stream.indirect.gather [hbm4b:s3+s10], $0x80, s2, s10, $0xb8;
	[tilespmem:$0x13200] =	vst v63  }
0x16: {  	_ = 	snop  }
0x17: {  	[tilespmem:s12], [sflag:$0x1] =	stream.indirect.gather [hbm4b:s3+s10], $0x80, s10, s10, $0xb8;
	[tilespmem:$0x13200] =	vst v63  }
0x18: {  	_ = 	snop  }
0x19: {  	[tilespmem:s14], [sflag:$0x2] =	stream.indirect.gather [hbm4b:s3+s10], $0x80, s13, s10, $0xb8;
	[tilespmem:$0x13200] =	vst v63  }
0x1a: {  	s20 =	simm.s32 $0x0  }
0x1b: {  	[tilespmem:s16], [sflag:$0x2] =	stream.indirect.gather [hbm4b:s3+s10], $0x80, s15, s10, $0xb8;
	[tilespmem:$0x13200] =	vst v63  }
.LBB2_2:
0x1c: {  	_ =	swait.ge [sflag:s17], $0x4000  }
0x1d: {  	s21 =	sshll.u32 s20, $0x10;
	[sflag:s17] =	ssyncset.done $0x0  }
0x1e: {  	s21 =	sadd.s32 s6, s21;
	[sflag:s17] =	ssyncadd.s32 $0xFFFFC000  }
0x1f: {  	s22 =	simm.s32 $0x3200;
	s21 =	sshrl.u32 s21, $0x3;
	_ =	swait.ge [sflag:s17], $0x4000  }
0x20: {  	s23 =	simm.s32 $0x10;
	s21 =	sadd.s32 s4, s21;
	[sflag:s17] =	ssyncset.done $0x0  }
0x21: {  	s24 =	simm.s32 $0x3280;
	s25 =	sadd.s32 $0x0, s21;
	[sflag:s17] =	ssyncadd.s32 $0xFFFFC000  }
.LBB2_3:
0x22: {  	[hbm4b:s25+s2] =	stream.linear.scatter [tilespmem:s22], [sflag:$0x3], $0x40, $0x38;
	[tilespmem:$0x13200] =	vst v63  }
0x23: {  	s25 =	smov.u32 s23;
	s22 =	smov.u32 s24;
	p0 =	sne.s32 s23, $0xFF0  }
.Ltmp2:
0x24: {  	s23 =	sadd.s32 $0x10, s23;
	(pc) =	sbr.rel @p0 .LBB2_3-.Ltmp2, $2  }
0x25: {  	_ =	sdelay $0x2  }
0x26: {  	s24 =	sadd.s32 $0x80, s24;
	s25 =	sadd.s32 s25, s21  }
0x27: {  	[hbm4b:s25+s2] =	stream.linear.scatter [tilespmem:s22], [sflag:$0x3], $0x40, $0x38;
	[tilespmem:$0x13200] =	vst v63  }
0x28: {  	s21 =	sshll.u32 s20, $0xB;
	p0 =	seq.s32 s20, $0x18;
	_ =	swait.ge [sflag:s9], $0x4000  }
0x29: {  	s22 =	sshrl.u32 @!p0 s21, $0x2;
	s24 =	simm.s32 @!p0 $0x80;
	[sflag:s9] =	ssyncset.done $0x0  }
0x2a: {  	s25 =	simm.s32 @!p0 $0x3200;
	s23 =	sadd.s32 @!p0 $0x200, s22;
	[sflag:s9] =	ssyncadd.s32 $0xFFFFC000  }
0x2b: {  	[tilespmem:s25], [sflag:$0x1] =	stream.indirect.gather @!p0 [hbm4b:s3+s24], $0x80, s23, s24, $0xb8;
	[tilespmem:$0x13200] =	vst v63  }
0x2c: {  	s22 =	sadd.s32 @!p0 $0x280, s22;
	s23 =	simm.s32 @!p0 $0x7200  }
0x2d: {  	[tilespmem:s23], [sflag:$0x1] =	stream.indirect.gather @!p0 [hbm4b:s3+s24], $0x80, s22, s24, $0xb8;
	[tilespmem:$0x13200] =	vst v63  }
0x2e: {  	_ =	swait.ge [sflag:s18], $0x4000  }
0x2f: {  	[sflag:s18] =	ssyncset.done $0x0  }
0x30: {  	[sflag:s18] =	ssyncadd.s32 $0xFFFFC000  }
0x31: {  	s31 =	sshll.u32 s20, $0xD;
	s25 =	simm.s32 $0xB280;
	_ =	swait.ge [sflag:s18], $0x4000  }
0x32: {  	s22 =	sadd.s32 s8, s31;
	s23 =	simm.s32 $0xB200;
	[sflag:s18] =	ssyncset.done $0x0  }
0x33: {  	s24 =	simm.s32 $0x10;
	s26 =	sadd.s32 $0x0, s22;
	[sflag:s18] =	ssyncadd.s32 $0xFFFFC000  }
.LBB2_5:
0x34: {  	[hbm4b:s26+s2] =	stream.linear.scatter [tilespmem:s23], [sflag:$0x3], $0x40, $0x38;
	[tilespmem:$0x13200] =	vst v63  }
0x35: {  	s26 =	smov.u32 s24;
	s23 =	smov.u32 s25;
	p1 =	sne.s32 s24, $0xFF0  }
.Ltmp3:
0x36: {  	s24 =	sadd.s32 $0x10, s24;
	(pc) =	sbr.rel @p1 .LBB2_5-.Ltmp3, $2  }
0x37: {  	_ =	sdelay $0x2  }
0x38: {  	s25 =	sadd.s32 $0x80, s25;
	s26 =	sadd.s32 s26, s22  }
.Ltmp4:
0x39: {  	(pc) =	sbr.rel @p0 .LBB2_8-.Ltmp4, $4  }
0x3a: {  	[hbm4b:s26+s2] =	stream.linear.scatter [tilespmem:s23], [sflag:$0x3], $0x40, $0x38;
	[tilespmem:$0x13200] =	vst v63  }
0x3b: {  	_ =	swait.ge [sflag:s9], $0x4000  }
0x3c: {  	[sflag:s9] =	ssyncset.done $0x0  }
0x3d: {  	[sflag:s9] =	ssyncadd.s32 $0xFFFFC000  }
.Ltmp5:
0x3e: {  	s21 =	sshrl.u32 s21, $0x2;
	(pc) =	sbr.rel .LBB2_2-.Ltmp5, $4  }
0x3f: {  	s22 =	sadd.s32 $0x300, s21  }
0x40: {  	[tilespmem:s14], [sflag:$0x2] =	stream.indirect.gather [hbm4b:s3+s10], $0x80, s22, s10, $0xb8;
	[tilespmem:$0x13200] =	vst v63  }
0x41: {  	s20 =	sadd.s32 $0x1, s20;
	s21 =	sadd.s32 $0x380, s21  }
0x42: {  	[tilespmem:s16], [sflag:$0x2] =	stream.indirect.gather [hbm4b:s3+s10], $0x80, s21, s10, $0xb8;
	[tilespmem:$0x13200] =	vst v63  }
.LBB2_9:
0x43: {  	_ =	sfence.sel $0x180000  }
0x44: {  	[bflag:$0x0] =	sbarrier.arrive $0xFFFF  }
0x45: {  	p0 =	sne.s32 s0, $0x0;
	_ =	strace $0x90000047  }
0x46: {  	s0 =	sadd.s32 @!p0 $0x100000, s1;
	[bflag:$0x2] =	sbarrier.arrive $0xFFFF  }
0x47: {  	[sflag:s0] =	ssyncadd.tile.s32 @!p0 $0x1;
	_ =	shalt  }
.Lfunc_end2:
_tile_overlayer_lowered:
.L_overlay_start_2:
0x48: {  	(tag) =	ssettag $0x2  }
0x49: {  	s0 =	rddreg [dreg:$0x0];
	s2 =	stileid.u32  }
0x4a: {  	s1 =	rddreg [dreg:$0x1];
	p0 =	sne.s32 s2, $0x0  }
0x4b: {  	s3 =	rddreg [dreg:$0x2];
	[bflag:$0x3] =	sbarrier.arrive $0xFFFF;
	s2 =	simm.s32 @!p0 $0x1C03  }
0x4c: {  	[timem:s3], [sflag:s2] =	dma.local @!p0 [hbm:s0], s1  }
0x4d: {  	s0 =	simm.s32 @!p0 $0x3  }
0x4e: {  	_ =	swait.ge @!p0 [sflag:s0], s1  }
0x4f: {  	s1 =	ssub.s32 @!p0 $0x0, s1;
	[sflag:s0] =	ssyncset.done @!p0 $0x0  }
0x50: {  	[sflag:s0] =	ssyncadd.s32 @!p0 s1  }
0x51: {  	[bflag:$0x3] =	sbarrier.arrive $0xFFFF  }
0x52: {  	_ =	shalt  }

</sc_bundles>
